<compile_context>
chip_gen: v7x
topology: tpu7x:2x2x1
jax: 0.10.2.dev20260603
libtpu: 0.0.44.dev20260713+nightly
codegen_flags: <defaults>
</compile_context>

<pallas_src>
import functools

import jax
import jax.numpy as jnp
from jax import lax
from jax.experimental import pallas as pl
from jax.experimental.pallas import tpu as pltpu
from jax.experimental.pallas import tpu_sc as plsc

D = 128
CHUNK = 128
NC, NS = 2, 16
NW = NC * NS


NBUF = 5
PREF = 3


def _emb_body(n_chunks_per_w, idx_hbm, w_hbm, out_hbm, idx_v, rows_v, *sems):
    sem_g, sem_o = sems[:NBUF], sems[NBUF:]
    wid = lax.axis_index("s") * NC + lax.axis_index("c")
    base_c = wid * n_chunks_per_w
    pltpu.sync_copy(idx_hbm.at[wid], idx_v)

    for b in range(PREF):
        pltpu.async_copy(w_hbm.at[idx_v.at[b]], rows_v.at[b], sem_g[b])

    def body(t, carry):
        g0 = t * NBUF
        for b in range(NBUF):
            g = g0 + b
            pltpu.make_async_copy(w_hbm.at[idx_v.at[0]], rows_v.at[b],
                                  sem_g[b]).wait()
            pltpu.async_copy(rows_v.at[b],
                             out_hbm.at[pl.ds((base_c + g) * CHUNK, CHUNK)],
                             sem_o[b])
            p = g + PREF
            bp = (b + PREF) % NBUF

            @pl.when(p - NBUF >= 0)
            def _():
                pltpu.make_async_copy(
                    rows_v.at[bp], out_hbm.at[pl.ds(0, CHUNK)],
                    sem_o[bp]).wait()

            @pl.when(p < n_chunks_per_w)
            def _():
                pltpu.async_copy(w_hbm.at[idx_v.at[p]], rows_v.at[bp],
                                 sem_g[bp])
        return carry

    lax.fori_loop(0, n_chunks_per_w // NBUF, body, 0)

    for q in range(n_chunks_per_w - (PREF - 1), n_chunks_per_w):
        pltpu.make_async_copy(rows_v.at[q % NBUF], out_hbm.at[pl.ds(0, CHUNK)],
                              sem_o[q % NBUF]).wait()


@jax.jit
def kernel(input, weight):
    S0, S1 = input.shape
    B = S0 * S1
    n_chunks = B // CHUNK
    n_chunks_per_w = n_chunks // NW
    idx = input.reshape(NW, n_chunks_per_w, CHUNK).astype(jnp.int32)

    mesh = plsc.VectorSubcoreMesh(core_axis_name="c", subcore_axis_name="s")
    k = pl.kernel(
        functools.partial(_emb_body, n_chunks_per_w),
        mesh=mesh,
        out_type=jax.ShapeDtypeStruct((B, D), jnp.float32),
        scratch_types=[
            pltpu.VMEM((n_chunks_per_w, CHUNK), jnp.int32),
            pltpu.VMEM((NBUF, CHUNK, D), jnp.float32),
        ] + [pltpu.SemaphoreType.DMA] * (2 * NBUF),
    )
    out = k(idx, weight)
    return out.reshape(S0, S1, D)

# --- scband reference (transcript-rebuilt; emitter-appended) ---
"""Pipeline reference for scband-embedding-11699490915082 (READ-ONLY COPY).

The authoritative reference and input builder live on the scoring server;
editing this copy changes nothing except your own understanding.
"""

import jax, jax.numpy as jnp
import numpy as np


def setup_inputs(seed: int = 0) -> dict:
    key = jax.random.key(seed)
    k1, k2 = jax.random.split(key)
    input_ids = jax.random.randint(k1, (4096, 50), 0, 100000, dtype=jnp.int64 if jax.config.read('jax_enable_x64') else jnp.int32)
    weight = jax.random.normal(k2, (100000, 128), dtype=jnp.float32)
    return {"input": input_ids, "weight": weight}


def reference(input, weight):
    # nn.Embedding forward: gather rows of the embedding table
    return jnp.take(weight, input, axis=0)

if __name__ == "__main__":
    import jax
    _d = setup_inputs()
    print(jax.jit(kernel)(*tuple(_d.values())))

</pallas_src>

<mosaic_0001>
#map = affine_map<(d0, d1) -> (0, 0, 0)>
#map1 = affine_map<(d0, d1) -> (0, 0)>
module attributes {stable_mosaic.version = 14 : i64} {
  func.func @_emb_body(%arg0: i32, %arg1: i32, %arg2: memref<32x50x128xi32, #tpu.memory_space<hbm>>, %arg3: memref<100000x128xf32, #tpu.memory_space<hbm>>, %arg4: memref<204800x128xf32, #tpu.memory_space<hbm>>, %arg5: memref<50x128xi32, #tpu.memory_space<vmem>>, %arg6: memref<5x128x128xf32, #tpu.memory_space<vmem>>, %arg7: memref<!tpu.dma_semaphore, #tpu.memory_space<semaphore_mem>>, %arg8: memref<!tpu.dma_semaphore, #tpu.memory_space<semaphore_mem>>, %arg9: memref<!tpu.dma_semaphore, #tpu.memory_space<semaphore_mem>>, %arg10: memref<!tpu.dma_semaphore, #tpu.memory_space<semaphore_mem>>, %arg11: memref<!tpu.dma_semaphore, #tpu.memory_space<semaphore_mem>>, %arg12: memref<!tpu.dma_semaphore, #tpu.memory_space<semaphore_mem>>, %arg13: memref<!tpu.dma_semaphore, #tpu.memory_space<semaphore_mem>>, %arg14: memref<!tpu.dma_semaphore, #tpu.memory_space<semaphore_mem>>, %arg15: memref<!tpu.dma_semaphore, #tpu.memory_space<semaphore_mem>>, %arg16: memref<!tpu.dma_semaphore, #tpu.memory_space<semaphore_mem>>) attributes {dimension_semantics = [#tpu.dimension_semantics<core_parallel>, #tpu.dimension_semantics<subcore_parallel>], iteration_bounds = array<i64: 2, 16>, scalar_prefetch = 0 : i64, scratch_operands = 12 : i64, tpu.core_type = #tpu.core_type<sc_vector_subcore>, window_params = [{transform_indices = #map}, {transform_indices = #map1}, {transform_indices = #map1}]} {
    %mul3A = arith.constant 2 : i32
    %mul3A_0 = arith.muli %arg1, %mul3A : i32
    %add3A = arith.addi %mul3A_0, %arg0 : i32
    %mul3A_1 = arith.constant 50 : i32
    %mul3A_2 = arith.muli %add3A, %mul3A_1 : i32
    "tpu.region"() ({
      %run_scoped3A = tpu.sem_alloc : memref<!tpu.dma_semaphore, #tpu.memory_space<semaphore_mem>>
      %dma_start3A_72 = arith.constant 0 : i32
      %dma_start3A_73 = arith.constant 0 : i32
      %dma_start3A_74 = tpu.memref_slice %arg2[%add3A, %dma_start3A_72, %dma_start3A_73] : memref<32x50x128xi32, #tpu.memory_space<hbm>> -> memref<1x50x128xi32, #tpu.memory_space<hbm>>
      %dma_start3A_75 = tpu.memref_squeeze %dma_start3A_74 : memref<1x50x128xi32, #tpu.memory_space<hbm>> -> memref<50x128xi32, #tpu.memory_space<hbm>>
      %dma_start3A_76 = arith.constant 0 : i32
      %dma_start3A_77 = arith.constant 0 : i32
      %dma_start3A_78 = tpu.memref_slice %arg2[%add3A, %dma_start3A_76, %dma_start3A_77] : memref<32x50x128xi32, #tpu.memory_space<hbm>> -> memref<1x50x128xi32, #tpu.memory_space<hbm>>
      %dma_start3A_79 = tpu.memref_squeeze %dma_start3A_78 : memref<1x50x128xi32, #tpu.memory_space<hbm>> -> memref<50x128xi32, #tpu.memory_space<hbm>>
      tpu.enqueue_dma source(%dma_start3A_79 : memref<50x128xi32, #tpu.memory_space<hbm>>) target(%arg5 : memref<50x128xi32, #tpu.memory_space<vmem>>) target_semaphore(%run_scoped3A : memref<!tpu.dma_semaphore, #tpu.memory_space<semaphore_mem>>)
      %dma_wait3A_80 = arith.constant 0 : i32
      %dma_wait3A_81 = arith.constant 0 : i32
      %dma_wait3A_82 = tpu.memref_slice %arg2[%add3A, %dma_wait3A_80, %dma_wait3A_81] : memref<32x50x128xi32, #tpu.memory_space<hbm>> -> memref<1x50x128xi32, #tpu.memory_space<hbm>>
      %dma_wait3A_83 = tpu.memref_squeeze %dma_wait3A_82 : memref<1x50x128xi32, #tpu.memory_space<hbm>> -> memref<50x128xi32, #tpu.memory_space<hbm>>
      %dma_wait3A_84 = arith.constant 0 : i32
      %dma_wait3A_85 = arith.constant 0 : i32
      %dma_wait3A_86 = tpu.memref_slice %arg2[%add3A, %dma_wait3A_84, %dma_wait3A_85] : memref<32x50x128xi32, #tpu.memory_space<hbm>> -> memref<1x50x128xi32, #tpu.memory_space<hbm>>
      %dma_wait3A_87 = tpu.memref_squeeze %dma_wait3A_86 : memref<1x50x128xi32, #tpu.memory_space<hbm>> -> memref<50x128xi32, #tpu.memory_space<hbm>>
      tpu.wait_dma2 semaphore(%run_scoped3A : memref<!tpu.dma_semaphore, #tpu.memory_space<semaphore_mem>>) src(%dma_wait3A_87 : memref<50x128xi32, #tpu.memory_space<hbm>>) dst(%arg5 : memref<50x128xi32, #tpu.memory_space<vmem>>)
      tpu.yield
    }) : () -> ()
    %dma_start3A = arith.constant 0 : i32
    %dma_start3A_3 = arith.constant 0 : i32
    %dma_start3A_4 = arith.constant 0 : i32
    %dma_start3A_5 = arith.constant 0 : i32
    %dma_start3A_6 = tpu.memref_slice %arg6[%dma_start3A_3, %dma_start3A_4, %dma_start3A_5] : memref<5x128x128xf32, #tpu.memory_space<vmem>> -> memref<1x128x128xf32, #tpu.memory_space<vmem>>
    %dma_start3A_7 = tpu.memref_squeeze %dma_start3A_6 : memref<1x128x128xf32, #tpu.memory_space<vmem>> -> memref<128x128xf32, #tpu.memory_space<vmem>>
    %dma_start3A_8 = arith.constant 0 : i32
    %dma_start3A_9 = tpu.memref_slice %arg5[%dma_start3A, %dma_start3A_8] : memref<50x128xi32, #tpu.memory_space<vmem>> -> memref<1x128xi32, #tpu.memory_space<vmem>>
    %dma_start3A_10 = tpu.memref_squeeze %dma_start3A_9 : memref<1x128xi32, #tpu.memory_space<vmem>> -> memref<128xi32, #tpu.memory_space<vmem>>
    %dma_start3A_11 = arith.constant 0 : i32
    %dma_start3A_12 = arith.constant 0 : i32
    %dma_start3A_13 = tpu.memref_slice %arg3[%dma_start3A_11, %dma_start3A_12] : memref<100000x128xf32, #tpu.memory_space<hbm>> -> memref<100000x128xf32, #tpu.memory_space<hbm>>
    tpu.enqueue_indirect_dma source(%dma_start3A_13 : memref<100000x128xf32, #tpu.memory_space<hbm>>) target(%dma_start3A_7 : memref<128x128xf32, #tpu.memory_space<vmem>>) offsets(%dma_start3A_10 : memref<128xi32, #tpu.memory_space<vmem>>) semaphore(%arg7 : memref<!tpu.dma_semaphore, #tpu.memory_space<semaphore_mem>>)
    %dma_start3A_14 = arith.constant 1 : i32
    %dma_start3A_15 = arith.constant 1 : i32
    %dma_start3A_16 = arith.constant 0 : i32
    %dma_start3A_17 = arith.constant 0 : i32
    %dma_start3A_18 = tpu.memref_slice %arg6[%dma_start3A_15, %dma_start3A_16, %dma_start3A_17] : memref<5x128x128xf32, #tpu.memory_space<vmem>> -> memref<1x128x128xf32, #tpu.memory_space<vmem>>
    %dma_start3A_19 = tpu.memref_squeeze %dma_start3A_18 : memref<1x128x128xf32, #tpu.memory_space<vmem>> -> memref<128x128xf32, #tpu.memory_space<vmem>>
    %dma_start3A_20 = arith.constant 0 : i32
    %dma_start3A_21 = tpu.memref_slice %arg5[%dma_start3A_14, %dma_start3A_20] : memref<50x128xi32, #tpu.memory_space<vmem>> -> memref<1x128xi32, #tpu.memory_space<vmem>>
    %dma_start3A_22 = tpu.memref_squeeze %dma_start3A_21 : memref<1x128xi32, #tpu.memory_space<vmem>> -> memref<128xi32, #tpu.memory_space<vmem>>
    %dma_start3A_23 = arith.constant 0 : i32
    %dma_start3A_24 = arith.constant 0 : i32
    %dma_start3A_25 = tpu.memref_slice %arg3[%dma_start3A_23, %dma_start3A_24] : memref<100000x128xf32, #tpu.memory_space<hbm>> -> memref<100000x128xf32, #tpu.memory_space<hbm>>
    tpu.enqueue_indirect_dma source(%dma_start3A_25 : memref<100000x128xf32, #tpu.memory_space<hbm>>) target(%dma_start3A_19 : memref<128x128xf32, #tpu.memory_space<vmem>>) offsets(%dma_start3A_22 : memref<128xi32, #tpu.memory_space<vmem>>) semaphore(%arg8 : memref<!tpu.dma_semaphore, #tpu.memory_space<semaphore_mem>>)
    %dma_start3A_26 = arith.constant 2 : i32
    %dma_start3A_27 = arith.constant 2 : i32
    %dma_start3A_28 = arith.constant 0 : i32
    %dma_start3A_29 = arith.constant 0 : i32
    %dma_start3A_30 = tpu.memref_slice %arg6[%dma_start3A_27, %dma_start3A_28, %dma_start3A_29] : memref<5x128x128xf32, #tpu.memory_space<vmem>> -> memref<1x128x128xf32, #tpu.memory_space<vmem>>
    %dma_start3A_31 = tpu.memref_squeeze %dma_start3A_30 : memref<1x128x128xf32, #tpu.memory_space<vmem>> -> memref<128x128xf32, #tpu.memory_space<vmem>>
    %dma_start3A_32 = arith.constant 0 : i32
    %dma_start3A_33 = tpu.memref_slice %arg5[%dma_start3A_26, %dma_start3A_32] : memref<50x128xi32, #tpu.memory_space<vmem>> -> memref<1x128xi32, #tpu.memory_space<vmem>>
    %dma_start3A_34 = tpu.memref_squeeze %dma_start3A_33 : memref<1x128xi32, #tpu.memory_space<vmem>> -> memref<128xi32, #tpu.memory_space<vmem>>
    %dma_start3A_35 = arith.constant 0 : i32
    %dma_start3A_36 = arith.constant 0 : i32
    %dma_start3A_37 = tpu.memref_slice %arg3[%dma_start3A_35, %dma_start3A_36] : memref<100000x128xf32, #tpu.memory_space<hbm>> -> memref<100000x128xf32, #tpu.memory_space<hbm>>
    tpu.enqueue_indirect_dma source(%dma_start3A_37 : memref<100000x128xf32, #tpu.memory_space<hbm>>) target(%dma_start3A_31 : memref<128x128xf32, #tpu.memory_space<vmem>>) offsets(%dma_start3A_34 : memref<128xi32, #tpu.memory_space<vmem>>) semaphore(%arg9 : memref<!tpu.dma_semaphore, #tpu.memory_space<semaphore_mem>>)
    %scan3A = arith.constant 0 : i32
    %scan3A_38 = arith.constant 0 : i32
    %scan3A_39 = arith.constant 10 : i32
    %scan3A_40 = arith.addi %scan3A_38, %scan3A_39 : i32
    %scan3A_41 = arith.constant 1 : i32
    scf.for %scan3A_72 = %scan3A_38 to %scan3A_40 step %scan3A_41  : i32 {
      %mul3A_73 = arith.constant 5 : i32
      %mul3A_74 = arith.muli %scan3A_72, %mul3A_73 : i32
      %add3A_75 = arith.constant 0 : i32
      %add3A_76 = arith.addi %mul3A_74, %add3A_75 : i32
      %dma_wait3A_77 = arith.constant 0 : i32
      %dma_wait3A_78 = arith.constant 0 : i32
      %dma_wait3A_79 = arith.constant 0 : i32
      %dma_wait3A_80 = arith.constant 0 : i32
      %dma_wait3A_81 = tpu.memref_slice %arg6[%dma_wait3A_78, %dma_wait3A_79, %dma_wait3A_80] : memref<5x128x128xf32, #tpu.memory_space<vmem>> -> memref<1x128x128xf32, #tpu.memory_space<vmem>>
      %dma_wait3A_82 = tpu.memref_squeeze %dma_wait3A_81 : memref<1x128x128xf32, #tpu.memory_space<vmem>> -> memref<128x128xf32, #tpu.memory_space<vmem>>
      %dma_wait3A_83 = arith.constant 0 : i32
      %dma_wait3A_84 = tpu.memref_slice %arg5[%dma_wait3A_77, %dma_wait3A_83] : memref<50x128xi32, #tpu.memory_space<vmem>> -> memref<1x128xi32, #tpu.memory_space<vmem>>
      %dma_wait3A_85 = tpu.memref_squeeze %dma_wait3A_84 : memref<1x128xi32, #tpu.memory_space<vmem>> -> memref<128xi32, #tpu.memory_space<vmem>>
      %dma_wait3A_86 = arith.constant 0 : i32
      %dma_wait3A_87 = arith.constant 0 : i32
      %dma_wait3A_88 = tpu.memref_slice %arg3[%dma_wait3A_86, %dma_wait3A_87] : memref<100000x128xf32, #tpu.memory_space<hbm>> -> memref<100000x128xf32, #tpu.memory_space<hbm>>
      tpu.wait_indirect_dma semaphore(%arg7 : memref<!tpu.dma_semaphore, #tpu.memory_space<semaphore_mem>>) src(%dma_wait3A_88 : memref<100000x128xf32, #tpu.memory_space<hbm>>) dst(%dma_wait3A_82 : memref<128x128xf32, #tpu.memory_space<vmem>>)
      %add3A_89 = arith.addi %mul3A_2, %add3A_76 : i32
      %mul3A_90 = arith.constant 128 : i32
      %mul3A_91 = arith.muli %add3A_89, %mul3A_90 : i32
      %dma_start3A_92 = arith.constant 0 : i32
      %dma_start3A_93 = arith.constant 0 : i32
      %dma_start3A_94 = arith.constant 0 : i32
      %dma_start3A_95 = tpu.memref_slice %arg6[%dma_start3A_92, %dma_start3A_93, %dma_start3A_94] : memref<5x128x128xf32, #tpu.memory_space<vmem>> -> memref<1x128x128xf32, #tpu.memory_space<vmem>>
      %dma_start3A_96 = tpu.memref_squeeze %dma_start3A_95 : memref<1x128x128xf32, #tpu.memory_space<vmem>> -> memref<128x128xf32, #tpu.memory_space<vmem>>
      %dma_start3A_97 = arith.constant 0 : i32
      %dma_start3A_98 = tpu.memref_slice %arg4[%mul3A_91, %dma_start3A_97] : memref<204800x128xf32, #tpu.memory_space<hbm>> -> memref<128x128xf32, #tpu.memory_space<hbm>>
      %dma_start3A_99 = arith.constant 0 : i32
      %dma_start3A_100 = tpu.memref_slice %arg4[%mul3A_91, %dma_start3A_99] : memref<204800x128xf32, #tpu.memory_space<hbm>> -> memref<128x128xf32, #tpu.memory_space<hbm>>
      %dma_start3A_101 = arith.constant 0 : i32
      %dma_start3A_102 = arith.constant 0 : i32
      %dma_start3A_103 = tpu.memref_slice %arg6[%dma_start3A_92, %dma_start3A_101, %dma_start3A_102] : memref<5x128x128xf32, #tpu.memory_space<vmem>> -> memref<1x128x128xf32, #tpu.memory_space<vmem>>
      %dma_start3A_104 = tpu.memref_squeeze %dma_start3A_103 : memref<1x128x128xf32, #tpu.memory_space<vmem>> -> memref<128x128xf32, #tpu.memory_space<vmem>>
      tpu.enqueue_dma source(%dma_start3A_104 : memref<128x128xf32, #tpu.memory_space<vmem>>) target(%dma_start3A_100 : memref<128x128xf32, #tpu.memory_space<hbm>>) target_semaphore(%arg12 : memref<!tpu.dma_semaphore, #tpu.memory_space<semaphore_mem>>)
      %add3A_105 = arith.constant 3 : i32
      %add3A_106 = arith.addi %add3A_76, %add3A_105 : i32
      %sub3A = arith.constant 5 : i32
      %sub3A_107 = arith.subi %add3A_106, %sub3A : i32
      %ge3A = arith.constant 0 : i32
      %ge3A_108 = arith.cmpi sge, %sub3A_107, %ge3A : i32
      %convert_element_type3A = arith.extui %ge3A_108 : i1 to i32
      %cond3A = arith.constant 0 : i32
      %cond3A_109 = arith.cmpi ne, %convert_element_type3A, %cond3A : i32
      scf.if %cond3A_109 {
        %dma_wait3A_290 = arith.constant 3 : i32
        %dma_wait3A_291 = arith.constant 0 : i32
        %dma_wait3A_292 = arith.constant 0 : i32
        %dma_wait3A_293 = tpu.memref_slice %arg6[%dma_wait3A_290, %dma_wait3A_291, %dma_wait3A_292] : memref<5x128x128xf32, #tpu.memory_space<vmem>> -> memref<1x128x128xf32, #tpu.memory_space<vmem>>
        %dma_wait3A_294 = tpu.memref_squeeze %dma_wait3A_293 : memref<1x128x128xf32, #tpu.memory_space<vmem>> -> memref<128x128xf32, #tpu.memory_space<vmem>>
        %dma_wait3A_295 = arith.constant 0 : i32
        %dma_wait3A_296 = arith.constant 0 : i32
        %dma_wait3A_297 = tpu.memref_slice %arg4[%dma_wait3A_295, %dma_wait3A_296] : memref<204800x128xf32, #tpu.memory_space<hbm>> -> memref<128x128xf32, #tpu.memory_space<hbm>>
        %dma_wait3A_298 = arith.constant 0 : i32
        %dma_wait3A_299 = arith.constant 0 : i32
        %dma_wait3A_300 = tpu.memref_slice %arg4[%dma_wait3A_298, %dma_wait3A_299] : memref<204800x128xf32, #tpu.memory_space<hbm>> -> memref<128x128xf32, #tpu.memory_space<hbm>>
        %dma_wait3A_301 = arith.constant 0 : i32
        %dma_wait3A_302 = arith.constant 0 : i32
        %dma_wait3A_303 = tpu.memref_slice %arg6[%dma_wait3A_290, %dma_wait3A_301, %dma_wait3A_302] : memref<5x128x128xf32, #tpu.memory_space<vmem>> -> memref<1x128x128xf32, #tpu.memory_space<vmem>>
        %dma_wait3A_304 = tpu.memref_squeeze %dma_wait3A_303 : memref<1x128x128xf32, #tpu.memory_space<vmem>> -> memref<128x128xf32, #tpu.memory_space<vmem>>
        tpu.wait_dma2 semaphore(%arg15 : memref<!tpu.dma_semaphore, #tpu.memory_space<semaphore_mem>>) src(%dma_wait3A_304 : memref<128x128xf32, #tpu.memory_space<vmem>>) dst(%dma_wait3A_300 : memref<128x128xf32, #tpu.memory_space<hbm>>)
      } else {
      }
      %lt3A = arith.constant 50 : i32
      %lt3A_110 = arith.cmpi slt, %add3A_106, %lt3A : i32
      %convert_element_type3A_111 = arith.extui %lt3A_110 : i1 to i32
      %cond3A_112 = arith.constant 0 : i32
      %cond3A_113 = arith.cmpi ne, %convert_element_type3A_111, %cond3A_112 : i32
      scf.if %cond3A_113 {
        %dma_start3A_290 = arith.constant 3 : i32
        %dma_start3A_291 = arith.constant 0 : i32
        %dma_start3A_292 = arith.constant 0 : i32
        %dma_start3A_293 = tpu.memref_slice %arg6[%dma_start3A_290, %dma_start3A_291, %dma_start3A_292] : memref<5x128x128xf32, #tpu.memory_space<vmem>> -> memref<1x128x128xf32, #tpu.memory_space<vmem>>
        %dma_start3A_294 = tpu.memref_squeeze %dma_start3A_293 : memref<1x128x128xf32, #tpu.memory_space<vmem>> -> memref<128x128xf32, #tpu.memory_space<vmem>>
        %dma_start3A_295 = arith.constant 0 : i32
        %dma_start3A_296 = tpu.memref_slice %arg5[%add3A_106, %dma_start3A_295] : memref<50x128xi32, #tpu.memory_space<vmem>> -> memref<1x128xi32, #tpu.memory_space<vmem>>
        %dma_start3A_297 = tpu.memref_squeeze %dma_start3A_296 : memref<1x128xi32, #tpu.memory_space<vmem>> -> memref<128xi32, #tpu.memory_space<vmem>>
        %dma_start3A_298 = arith.constant 0 : i32
        %dma_start3A_299 = arith.constant 0 : i32
        %dma_start3A_300 = tpu.memref_slice %arg3[%dma_start3A_298, %dma_start3A_299] : memref<100000x128xf32, #tpu.memory_space<hbm>> -> memref<100000x128xf32, #tpu.memory_space<hbm>>
        tpu.enqueue_indirect_dma source(%dma_start3A_300 : memref<100000x128xf32, #tpu.memory_space<hbm>>) target(%dma_start3A_294 : memref<128x128xf32, #tpu.memory_space<vmem>>) offsets(%dma_start3A_297 : memref<128xi32, #tpu.memory_space<vmem>>) semaphore(%arg10 : memref<!tpu.dma_semaphore, #tpu.memory_space<semaphore_mem>>)
      } else {
      }
      %add3A_114 = arith.constant 1 : i32
      %add3A_115 = arith.addi %mul3A_74, %add3A_114 : i32
      %dma_wait3A_116 = arith.constant 0 : i32
      %dma_wait3A_117 = arith.constant 1 : i32
      %dma_wait3A_118 = arith.constant 0 : i32
      %dma_wait3A_119 = arith.constant 0 : i32
      %dma_wait3A_120 = tpu.memref_slice %arg6[%dma_wait3A_117, %dma_wait3A_118, %dma_wait3A_119] : memref<5x128x128xf32, #tpu.memory_space<vmem>> -> memref<1x128x128xf32, #tpu.memory_space<vmem>>
      %dma_wait3A_121 = tpu.memref_squeeze %dma_wait3A_120 : memref<1x128x128xf32, #tpu.memory_space<vmem>> -> memref<128x128xf32, #tpu.memory_space<vmem>>
      %dma_wait3A_122 = arith.constant 0 : i32
      %dma_wait3A_123 = tpu.memref_slice %arg5[%dma_wait3A_116, %dma_wait3A_122] : memref<50x128xi32, #tpu.memory_space<vmem>> -> memref<1x128xi32, #tpu.memory_space<vmem>>
      %dma_wait3A_124 = tpu.memref_squeeze %dma_wait3A_123 : memref<1x128xi32, #tpu.memory_space<vmem>> -> memref<128xi32, #tpu.memory_space<vmem>>
      %dma_wait3A_125 = arith.constant 0 : i32
      %dma_wait3A_126 = arith.constant 0 : i32
      %dma_wait3A_127 = tpu.memref_slice %arg3[%dma_wait3A_125, %dma_wait3A_126] : memref<100000x128xf32, #tpu.memory_space<hbm>> -> memref<100000x128xf32, #tpu.memory_space<hbm>>
      tpu.wait_indirect_dma semaphore(%arg8 : memref<!tpu.dma_semaphore, #tpu.memory_space<semaphore_mem>>) src(%dma_wait3A_127 : memref<100000x128xf32, #tpu.memory_space<hbm>>) dst(%dma_wait3A_121 : memref<128x128xf32, #tpu.memory_space<vmem>>)
      %add3A_128 = arith.addi %mul3A_2, %add3A_115 : i32
      %mul3A_129 = arith.constant 128 : i32
      %mul3A_130 = arith.muli %add3A_128, %mul3A_129 : i32
      %dma_start3A_131 = arith.constant 1 : i32
      %dma_start3A_132 = arith.constant 0 : i32
      %dma_start3A_133 = arith.constant 0 : i32
      %dma_start3A_134 = tpu.memref_slice %arg6[%dma_start3A_131, %dma_start3A_132, %dma_start3A_133] : memref<5x128x128xf32, #tpu.memory_space<vmem>> -> memref<1x128x128xf32, #tpu.memory_space<vmem>>
      %dma_start3A_135 = tpu.memref_squeeze %dma_start3A_134 : memref<1x128x128xf32, #tpu.memory_space<vmem>> -> memref<128x128xf32, #tpu.memory_space<vmem>>
      %dma_start3A_136 = arith.constant 0 : i32
      %dma_start3A_137 = tpu.memref_slice %arg4[%mul3A_130, %dma_start3A_136] : memref<204800x128xf32, #tpu.memory_space<hbm>> -> memref<128x128xf32, #tpu.memory_space<hbm>>
      %dma_start3A_138 = arith.constant 0 : i32
      %dma_start3A_139 = tpu.memref_slice %arg4[%mul3A_130, %dma_start3A_138] : memref<204800x128xf32, #tpu.memory_space<hbm>> -> memref<128x128xf32, #tpu.memory_space<hbm>>
      %dma_start3A_140 = arith.constant 0 : i32
      %dma_start3A_141 = arith.constant 0 : i32
      %dma_start3A_142 = tpu.memref_slice %arg6[%dma_start3A_131, %dma_start3A_140, %dma_start3A_141] : memref<5x128x128xf32, #tpu.memory_space<vmem>> -> memref<1x128x128xf32, #tpu.memory_space<vmem>>
      %dma_start3A_143 = tpu.memref_squeeze %dma_start3A_142 : memref<1x128x128xf32, #tpu.memory_space<vmem>> -> memref<128x128xf32, #tpu.memory_space<vmem>>
      tpu.enqueue_dma source(%dma_start3A_143 : memref<128x128xf32, #tpu.memory_space<vmem>>) target(%dma_start3A_139 : memref<128x128xf32, #tpu.memory_space<hbm>>) target_semaphore(%arg13 : memref<!tpu.dma_semaphore, #tpu.memory_space<semaphore_mem>>)
      %add3A_144 = arith.constant 3 : i32
      %add3A_145 = arith.addi %add3A_115, %add3A_144 : i32
      %sub3A_146 = arith.constant 5 : i32
      %sub3A_147 = arith.subi %add3A_145, %sub3A_146 : i32
      %ge3A_148 = arith.constant 0 : i32
      %ge3A_149 = arith.cmpi sge, %sub3A_147, %ge3A_148 : i32
      %convert_element_type3A_150 = arith.extui %ge3A_149 : i1 to i32
      %cond3A_151 = arith.constant 0 : i32
      %cond3A_152 = arith.cmpi ne, %convert_element_type3A_150, %cond3A_151 : i32
      scf.if %cond3A_152 {
        %dma_wait3A_290 = arith.constant 4 : i32
        %dma_wait3A_291 = arith.constant 0 : i32
        %dma_wait3A_292 = arith.constant 0 : i32
        %dma_wait3A_293 = tpu.memref_slice %arg6[%dma_wait3A_290, %dma_wait3A_291, %dma_wait3A_292] : memref<5x128x128xf32, #tpu.memory_space<vmem>> -> memref<1x128x128xf32, #tpu.memory_space<vmem>>
        %dma_wait3A_294 = tpu.memref_squeeze %dma_wait3A_293 : memref<1x128x128xf32, #tpu.memory_space<vmem>> -> memref<128x128xf32, #tpu.memory_space<vmem>>
        %dma_wait3A_295 = arith.constant 0 : i32
        %dma_wait3A_296 = arith.constant 0 : i32
        %dma_wait3A_297 = tpu.memref_slice %arg4[%dma_wait3A_295, %dma_wait3A_296] : memref<204800x128xf32, #tpu.memory_space<hbm>> -> memref<128x128xf32, #tpu.memory_space<hbm>>
        %dma_wait3A_298 = arith.constant 0 : i32
        %dma_wait3A_299 = arith.constant 0 : i32
        %dma_wait3A_300 = tpu.memref_slice %arg4[%dma_wait3A_298, %dma_wait3A_299] : memref<204800x128xf32, #tpu.memory_space<hbm>> -> memref<128x128xf32, #tpu.memory_space<hbm>>
        %dma_wait3A_301 = arith.constant 0 : i32
        %dma_wait3A_302 = arith.constant 0 : i32
        %dma_wait3A_303 = tpu.memref_slice %arg6[%dma_wait3A_290, %dma_wait3A_301, %dma_wait3A_302] : memref<5x128x128xf32, #tpu.memory_space<vmem>> -> memref<1x128x128xf32, #tpu.memory_space<vmem>>
        %dma_wait3A_304 = tpu.memref_squeeze %dma_wait3A_303 : memref<1x128x128xf32, #tpu.memory_space<vmem>> -> memref<128x128xf32, #tpu.memory_space<vmem>>
        tpu.wait_dma2 semaphore(%arg16 : memref<!tpu.dma_semaphore, #tpu.memory_space<semaphore_mem>>) src(%dma_wait3A_304 : memref<128x128xf32, #tpu.memory_space<vmem>>) dst(%dma_wait3A_300 : memref<128x128xf32, #tpu.memory_space<hbm>>)
      } else {
      }
      %lt3A_153 = arith.constant 50 : i32
      %lt3A_154 = arith.cmpi slt, %add3A_145, %lt3A_153 : i32
      %convert_element_type3A_155 = arith.extui %lt3A_154 : i1 to i32
      %cond3A_156 = arith.constant 0 : i32
      %cond3A_157 = arith.cmpi ne, %convert_element_type3A_155, %cond3A_156 : i32
      scf.if %cond3A_157 {
        %dma_start3A_290 = arith.constant 4 : i32
        %dma_start3A_291 = arith.constant 0 : i32
        %dma_start3A_292 = arith.constant 0 : i32
        %dma_start3A_293 = tpu.memref_slice %arg6[%dma_start3A_290, %dma_start3A_291, %dma_start3A_292] : memref<5x128x128xf32, #tpu.memory_space<vmem>> -> memref<1x128x128xf32, #tpu.memory_space<vmem>>
        %dma_start3A_294 = tpu.memref_squeeze %dma_start3A_293 : memref<1x128x128xf32, #tpu.memory_space<vmem>> -> memref<128x128xf32, #tpu.memory_space<vmem>>
        %dma_start3A_295 = arith.constant 0 : i32
        %dma_start3A_296 = tpu.memref_slice %arg5[%add3A_145, %dma_start3A_295] : memref<50x128xi32, #tpu.memory_space<vmem>> -> memref<1x128xi32, #tpu.memory_space<vmem>>
        %dma_start3A_297 = tpu.memref_squeeze %dma_start3A_296 : memref<1x128xi32, #tpu.memory_space<vmem>> -> memref<128xi32, #tpu.memory_space<vmem>>
        %dma_start3A_298 = arith.constant 0 : i32
        %dma_start3A_299 = arith.constant 0 : i32
        %dma_start3A_300 = tpu.memref_slice %arg3[%dma_start3A_298, %dma_start3A_299] : memref<100000x128xf32, #tpu.memory_space<hbm>> -> memref<100000x128xf32, #tpu.memory_space<hbm>>
        tpu.enqueue_indirect_dma source(%dma_start3A_300 : memref<100000x128xf32, #tpu.memory_space<hbm>>) target(%dma_start3A_294 : memref<128x128xf32, #tpu.memory_space<vmem>>) offsets(%dma_start3A_297 : memref<128xi32, #tpu.memory_space<vmem>>) semaphore(%arg11 : memref<!tpu.dma_semaphore, #tpu.memory_space<semaphore_mem>>)
      } else {
      }
      %add3A_158 = arith.constant 2 : i32
      %add3A_159 = arith.addi %mul3A_74, %add3A_158 : i32
      %dma_wait3A_160 = arith.constant 0 : i32
      %dma_wait3A_161 = arith.constant 2 : i32
      %dma_wait3A_162 = arith.constant 0 : i32
      %dma_wait3A_163 = arith.constant 0 : i32
      %dma_wait3A_164 = tpu.memref_slice %arg6[%dma_wait3A_161, %dma_wait3A_162, %dma_wait3A_163] : memref<5x128x128xf32, #tpu.memory_space<vmem>> -> memref<1x128x128xf32, #tpu.memory_space<vmem>>
      %dma_wait3A_165 = tpu.memref_squeeze %dma_wait3A_164 : memref<1x128x128xf32, #tpu.memory_space<vmem>> -> memref<128x128xf32, #tpu.memory_space<vmem>>
      %dma_wait3A_166 = arith.constant 0 : i32
      %dma_wait3A_167 = tpu.memref_slice %arg5[%dma_wait3A_160, %dma_wait3A_166] : memref<50x128xi32, #tpu.memory_space<vmem>> -> memref<1x128xi32, #tpu.memory_space<vmem>>
      %dma_wait3A_168 = tpu.memref_squeeze %dma_wait3A_167 : memref<1x128xi32, #tpu.memory_space<vmem>> -> memref<128xi32, #tpu.memory_space<vmem>>
      %dma_wait3A_169 = arith.constant 0 : i32
      %dma_wait3A_170 = arith.constant 0 : i32
      %dma_wait3A_171 = tpu.memref_slice %arg3[%dma_wait3A_169, %dma_wait3A_170] : memref<100000x128xf32, #tpu.memory_space<hbm>> -> memref<100000x128xf32, #tpu.memory_space<hbm>>
      tpu.wait_indirect_dma semaphore(%arg9 : memref<!tpu.dma_semaphore, #tpu.memory_space<semaphore_mem>>) src(%dma_wait3A_171 : memref<100000x128xf32, #tpu.memory_space<hbm>>) dst(%dma_wait3A_165 : memref<128x128xf32, #tpu.memory_space<vmem>>)
      %add3A_172 = arith.addi %mul3A_2, %add3A_159 : i32
      %mul3A_173 = arith.constant 128 : i32
      %mul3A_174 = arith.muli %add3A_172, %mul3A_173 : i32
      %dma_start3A_175 = arith.constant 2 : i32
      %dma_start3A_176 = arith.constant 0 : i32
      %dma_start3A_177 = arith.constant 0 : i32
      %dma_start3A_178 = tpu.memref_slice %arg6[%dma_start3A_175, %dma_start3A_176, %dma_start3A_177] : memref<5x128x128xf32, #tpu.memory_space<vmem>> -> memref<1x128x128xf32, #tpu.memory_space<vmem>>
      %dma_start3A_179 = tpu.memref_squeeze %dma_start3A_178 : memref<1x128x128xf32, #tpu.memory_space<vmem>> -> memref<128x128xf32, #tpu.memory_space<vmem>>
      %dma_start3A_180 = arith.constant 0 : i32
      %dma_start3A_181 = tpu.memref_slice %arg4[%mul3A_174, %dma_start3A_180] : memref<204800x128xf32, #tpu.memory_space<hbm>> -> memref<128x128xf32, #tpu.memory_space<hbm>>
      %dma_start3A_182 = arith.constant 0 : i32
      %dma_start3A_183 = tpu.memref_slice %arg4[%mul3A_174, %dma_start3A_182] : memref<204800x128xf32, #tpu.memory_space<hbm>> -> memref<128x128xf32, #tpu.memory_space<hbm>>
      %dma_start3A_184 = arith.constant 0 : i32
      %dma_start3A_185 = arith.constant 0 : i32
      %dma_start3A_186 = tpu.memref_slice %arg6[%dma_start3A_175, %dma_start3A_184, %dma_start3A_185] : memref<5x128x128xf32, #tpu.memory_space<vmem>> -> memref<1x128x128xf32, #tpu.memory_space<vmem>>
      %dma_start3A_187 = tpu.memref_squeeze %dma_start3A_186 : memref<1x128x128xf32, #tpu.memory_space<vmem>> -> memref<128x128xf32, #tpu.memory_space<vmem>>
      tpu.enqueue_dma source(%dma_start3A_187 : memref<128x128xf32, #tpu.memory_space<vmem>>) target(%dma_start3A_183 : memref<128x128xf32, #tpu.memory_space<hbm>>) target_semaphore(%arg14 : memref<!tpu.dma_semaphore, #tpu.memory_space<semaphore_mem>>)
      %add3A_188 = arith.constant 3 : i32
      %add3A_189 = arith.addi %add3A_159, %add3A_188 : i32
      %sub3A_190 = arith.constant 5 : i32
      %sub3A_191 = arith.subi %add3A_189, %sub3A_190 : i32
      %ge3A_192 = arith.constant 0 : i32
      %ge3A_193 = arith.cmpi sge, %sub3A_191, %ge3A_192 : i32
      %convert_element_type3A_194 = arith.extui %ge3A_193 : i1 to i32
      %cond3A_195 = arith.constant 0 : i32
      %cond3A_196 = arith.cmpi ne, %convert_element_type3A_194, %cond3A_195 : i32
      scf.if %cond3A_196 {
        %dma_wait3A_290 = arith.constant 0 : i32
        %dma_wait3A_291 = arith.constant 0 : i32
        %dma_wait3A_292 = arith.constant 0 : i32
        %dma_wait3A_293 = tpu.memref_slice %arg6[%dma_wait3A_290, %dma_wait3A_291, %dma_wait3A_292] : memref<5x128x128xf32, #tpu.memory_space<vmem>> -> memref<1x128x128xf32, #tpu.memory_space<vmem>>
        %dma_wait3A_294 = tpu.memref_squeeze %dma_wait3A_293 : memref<1x128x128xf32, #tpu.memory_space<vmem>> -> memref<128x128xf32, #tpu.memory_space<vmem>>
        %dma_wait3A_295 = arith.constant 0 : i32
        %dma_wait3A_296 = arith.constant 0 : i32
        %dma_wait3A_297 = tpu.memref_slice %arg4[%dma_wait3A_295, %dma_wait3A_296] : memref<204800x128xf32, #tpu.memory_space<hbm>> -> memref<128x128xf32, #tpu.memory_space<hbm>>
        %dma_wait3A_298 = arith.constant 0 : i32
        %dma_wait3A_299 = arith.constant 0 : i32
        %dma_wait3A_300 = tpu.memref_slice %arg4[%dma_wait3A_298, %dma_wait3A_299] : memref<204800x128xf32, #tpu.memory_space<hbm>> -> memref<128x128xf32, #tpu.memory_space<hbm>>
        %dma_wait3A_301 = arith.constant 0 : i32
        %dma_wait3A_302 = arith.constant 0 : i32
        %dma_wait3A_303 = tpu.memref_slice %arg6[%dma_wait3A_290, %dma_wait3A_301, %dma_wait3A_302] : memref<5x128x128xf32, #tpu.memory_space<vmem>> -> memref<1x128x128xf32, #tpu.memory_space<vmem>>
        %dma_wait3A_304 = tpu.memref_squeeze %dma_wait3A_303 : memref<1x128x128xf32, #tpu.memory_space<vmem>> -> memref<128x128xf32, #tpu.memory_space<vmem>>
        tpu.wait_dma2 semaphore(%arg12 : memref<!tpu.dma_semaphore, #tpu.memory_space<semaphore_mem>>) src(%dma_wait3A_304 : memref<128x128xf32, #tpu.memory_space<vmem>>) dst(%dma_wait3A_300 : memref<128x128xf32, #tpu.memory_space<hbm>>)
      } else {
      }
      %lt3A_197 = arith.constant 50 : i32
      %lt3A_198 = arith.cmpi slt, %add3A_189, %lt3A_197 : i32
      %convert_element_type3A_199 = arith.extui %lt3A_198 : i1 to i32
      %cond3A_200 = arith.constant 0 : i32
      %cond3A_201 = arith.cmpi ne, %convert_element_type3A_199, %cond3A_200 : i32
      scf.if %cond3A_201 {
        %dma_start3A_290 = arith.constant 0 : i32
        %dma_start3A_291 = arith.constant 0 : i32
        %dma_start3A_292 = arith.constant 0 : i32
        %dma_start3A_293 = tpu.memref_slice %arg6[%dma_start3A_290, %dma_start3A_291, %dma_start3A_292] : memref<5x128x128xf32, #tpu.memory_space<vmem>> -> memref<1x128x128xf32, #tpu.memory_space<vmem>>
        %dma_start3A_294 = tpu.memref_squeeze %dma_start3A_293 : memref<1x128x128xf32, #tpu.memory_space<vmem>> -> memref<128x128xf32, #tpu.memory_space<vmem>>
        %dma_start3A_295 = arith.constant 0 : i32
        %dma_start3A_296 = tpu.memref_slice %arg5[%add3A_189, %dma_start3A_295] : memref<50x128xi32, #tpu.memory_space<vmem>> -> memref<1x128xi32, #tpu.memory_space<vmem>>
        %dma_start3A_297 = tpu.memref_squeeze %dma_start3A_296 : memref<1x128xi32, #tpu.memory_space<vmem>> -> memref<128xi32, #tpu.memory_space<vmem>>
        %dma_start3A_298 = arith.constant 0 : i32
        %dma_start3A_299 = arith.constant 0 : i32
        %dma_start3A_300 = tpu.memref_slice %arg3[%dma_start3A_298, %dma_start3A_299] : memref<100000x128xf32, #tpu.memory_space<hbm>> -> memref<100000x128xf32, #tpu.memory_space<hbm>>
        tpu.enqueue_indirect_dma source(%dma_start3A_300 : memref<100000x128xf32, #tpu.memory_space<hbm>>) target(%dma_start3A_294 : memref<128x128xf32, #tpu.memory_space<vmem>>) offsets(%dma_start3A_297 : memref<128xi32, #tpu.memory_space<vmem>>) semaphore(%arg7 : memref<!tpu.dma_semaphore, #tpu.memory_space<semaphore_mem>>)
      } else {
      }
      %add3A_202 = arith.constant 3 : i32
      %add3A_203 = arith.addi %mul3A_74, %add3A_202 : i32
      %dma_wait3A_204 = arith.constant 0 : i32
      %dma_wait3A_205 = arith.constant 3 : i32
      %dma_wait3A_206 = arith.constant 0 : i32
      %dma_wait3A_207 = arith.constant 0 : i32
      %dma_wait3A_208 = tpu.memref_slice %arg6[%dma_wait3A_205, %dma_wait3A_206, %dma_wait3A_207] : memref<5x128x128xf32, #tpu.memory_space<vmem>> -> memref<1x128x128xf32, #tpu.memory_space<vmem>>
      %dma_wait3A_209 = tpu.memref_squeeze %dma_wait3A_208 : memref<1x128x128xf32, #tpu.memory_space<vmem>> -> memref<128x128xf32, #tpu.memory_space<vmem>>
      %dma_wait3A_210 = arith.constant 0 : i32
      %dma_wait3A_211 = tpu.memref_slice %arg5[%dma_wait3A_204, %dma_wait3A_210] : memref<50x128xi32, #tpu.memory_space<vmem>> -> memref<1x128xi32, #tpu.memory_space<vmem>>
      %dma_wait3A_212 = tpu.memref_squeeze %dma_wait3A_211 : memref<1x128xi32, #tpu.memory_space<vmem>> -> memref<128xi32, #tpu.memory_space<vmem>>
      %dma_wait3A_213 = arith.constant 0 : i32
      %dma_wait3A_214 = arith.constant 0 : i32
      %dma_wait3A_215 = tpu.memref_slice %arg3[%dma_wait3A_213, %dma_wait3A_214] : memref<100000x128xf32, #tpu.memory_space<hbm>> -> memref<100000x128xf32, #tpu.memory_space<hbm>>
      tpu.wait_indirect_dma semaphore(%arg10 : memref<!tpu.dma_semaphore, #tpu.memory_space<semaphore_mem>>) src(%dma_wait3A_215 : memref<100000x128xf32, #tpu.memory_space<hbm>>) dst(%dma_wait3A_209 : memref<128x128xf32, #tpu.memory_space<vmem>>)
      %add3A_216 = arith.addi %mul3A_2, %add3A_203 : i32
      %mul3A_217 = arith.constant 128 : i32
      %mul3A_218 = arith.muli %add3A_216, %mul3A_217 : i32
      %dma_start3A_219 = arith.constant 3 : i32
      %dma_start3A_220 = arith.constant 0 : i32
      %dma_start3A_221 = arith.constant 0 : i32
      %dma_start3A_222 = tpu.memref_slice %arg6[%dma_start3A_219, %dma_start3A_220, %dma_start3A_221] : memref<5x128x128xf32, #tpu.memory_space<vmem>> -> memref<1x128x128xf32, #tpu.memory_space<vmem>>
      %dma_start3A_223 = tpu.memref_squeeze %dma_start3A_222 : memref<1x128x128xf32, #tpu.memory_space<vmem>> -> memref<128x128xf32, #tpu.memory_space<vmem>>
      %dma_start3A_224 = arith.constant 0 : i32
      %dma_start3A_225 = tpu.memref_slice %arg4[%mul3A_218, %dma_start3A_224] : memref<204800x128xf32, #tpu.memory_space<hbm>> -> memref<128x128xf32, #tpu.memory_space<hbm>>
      %dma_start3A_226 = arith.constant 0 : i32
      %dma_start3A_227 = tpu.memref_slice %arg4[%mul3A_218, %dma_start3A_226] : memref<204800x128xf32, #tpu.memory_space<hbm>> -> memref<128x128xf32, #tpu.memory_space<hbm>>
      %dma_start3A_228 = arith.constant 0 : i32
      %dma_start3A_229 = arith.constant 0 : i32
      %dma_start3A_230 = tpu.memref_slice %arg6[%dma_start3A_219, %dma_start3A_228, %dma_start3A_229] : memref<5x128x128xf32, #tpu.memory_space<vmem>> -> memref<1x128x128xf32, #tpu.memory_space<vmem>>
      %dma_start3A_231 = tpu.memref_squeeze %dma_start3A_230 : memref<1x128x128xf32, #tpu.memory_space<vmem>> -> memref<128x128xf32, #tpu.memory_space<vmem>>
      tpu.enqueue_dma source(%dma_start3A_231 : memref<128x128xf32, #tpu.memory_space<vmem>>) target(%dma_start3A_227 : memref<128x128xf32, #tpu.memory_space<hbm>>) target_semaphore(%arg15 : memref<!tpu.dma_semaphore, #tpu.memory_space<semaphore_mem>>)
      %add3A_232 = arith.constant 3 : i32
      %add3A_233 = arith.addi %add3A_203, %add3A_232 : i32
      %sub3A_234 = arith.constant 5 : i32
      %sub3A_235 = arith.subi %add3A_233, %sub3A_234 : i32
      %ge3A_236 = arith.constant 0 : i32
      %ge3A_237 = arith.cmpi sge, %sub3A_235, %ge3A_236 : i32
      %convert_element_type3A_238 = arith.extui %ge3A_237 : i1 to i32
      %cond3A_239 = arith.constant 0 : i32
      %cond3A_240 = arith.cmpi ne, %convert_element_type3A_238, %cond3A_239 : i32
      scf.if %cond3A_240 {
        %dma_wait3A_290 = arith.constant 1 : i32
        %dma_wait3A_291 = arith.constant 0 : i32
        %dma_wait3A_292 = arith.constant 0 : i32
        %dma_wait3A_293 = tpu.memref_slice %arg6[%dma_wait3A_290, %dma_wait3A_291, %dma_wait3A_292] : memref<5x128x128xf32, #tpu.memory_space<vmem>> -> memref<1x128x128xf32, #tpu.memory_space<vmem>>
        %dma_wait3A_294 = tpu.memref_squeeze %dma_wait3A_293 : memref<1x128x128xf32, #tpu.memory_space<vmem>> -> memref<128x128xf32, #tpu.memory_space<vmem>>
        %dma_wait3A_295 = arith.constant 0 : i32
        %dma_wait3A_296 = arith.constant 0 : i32
        %dma_wait3A_297 = tpu.memref_slice %arg4[%dma_wait3A_295, %dma_wait3A_296] : memref<204800x128xf32, #tpu.memory_space<hbm>> -> memref<128x128xf32, #tpu.memory_space<hbm>>
        %dma_wait3A_298 = arith.constant 0 : i32
        %dma_wait3A_299 = arith.constant 0 : i32
        %dma_wait3A_300 = tpu.memref_slice %arg4[%dma_wait3A_298, %dma_wait3A_299] : memref<204800x128xf32, #tpu.memory_space<hbm>> -> memref<128x128xf32, #tpu.memory_space<hbm>>
        %dma_wait3A_301 = arith.constant 0 : i32
        %dma_wait3A_302 = arith.constant 0 : i32
        %dma_wait3A_303 = tpu.memref_slice %arg6[%dma_wait3A_290, %dma_wait3A_301, %dma_wait3A_302] : memref<5x128x128xf32, #tpu.memory_space<vmem>> -> memref<1x128x128xf32, #tpu.memory_space<vmem>>
        %dma_wait3A_304 = tpu.memref_squeeze %dma_wait3A_303 : memref<1x128x128xf32, #tpu.memory_space<vmem>> -> memref<128x128xf32, #tpu.memory_space<vmem>>
        tpu.wait_dma2 semaphore(%arg13 : memref<!tpu.dma_semaphore, #tpu.memory_space<semaphore_mem>>) src(%dma_wait3A_304 : memref<128x128xf32, #tpu.memory_space<vmem>>) dst(%dma_wait3A_300 : memref<128x128xf32, #tpu.memory_space<hbm>>)
      } else {
      }
      %lt3A_241 = arith.constant 50 : i32
      %lt3A_242 = arith.cmpi slt, %add3A_233, %lt3A_241 : i32
      %convert_element_type3A_243 = arith.extui %lt3A_242 : i1 to i32
      %cond3A_244 = arith.constant 0 : i32
      %cond3A_245 = arith.cmpi ne, %convert_element_type3A_243, %cond3A_244 : i32
      scf.if %cond3A_245 {
        %dma_start3A_290 = arith.constant 1 : i32
        %dma_start3A_291 = arith.constant 0 : i32
        %dma_start3A_292 = arith.constant 0 : i32
        %dma_start3A_293 = tpu.memref_slice %arg6[%dma_start3A_290, %dma_start3A_291, %dma_start3A_292] : memref<5x128x128xf32, #tpu.memory_space<vmem>> -> memref<1x128x128xf32, #tpu.memory_space<vmem>>
        %dma_start3A_294 = tpu.memref_squeeze %dma_start3A_293 : memref<1x128x128xf32, #tpu.memory_space<vmem>> -> memref<128x128xf32, #tpu.memory_space<vmem>>
        %dma_start3A_295 = arith.constant 0 : i32
        %dma_start3A_296 = tpu.memref_slice %arg5[%add3A_233, %dma_start3A_295] : memref<50x128xi32, #tpu.memory_space<vmem>> -> memref<1x128xi32, #tpu.memory_space<vmem>>
        %dma_start3A_297 = tpu.memref_squeeze %dma_start3A_296 : memref<1x128xi32, #tpu.memory_space<vmem>> -> memref<128xi32, #tpu.memory_space<vmem>>
        %dma_start3A_298 = arith.constant 0 : i32
        %dma_start3A_299 = arith.constant 0 : i32
        %dma_start3A_300 = tpu.memref_slice %arg3[%dma_start3A_298, %dma_start3A_299] : memref<100000x128xf32, #tpu.memory_space<hbm>> -> memref<100000x128xf32, #tpu.memory_space<hbm>>
        tpu.enqueue_indirect_dma source(%dma_start3A_300 : memref<100000x128xf32, #tpu.memory_space<hbm>>) target(%dma_start3A_294 : memref<128x128xf32, #tpu.memory_space<vmem>>) offsets(%dma_start3A_297 : memref<128xi32, #tpu.memory_space<vmem>>) semaphore(%arg8 : memref<!tpu.dma_semaphore, #tpu.memory_space<semaphore_mem>>)
      } else {
      }
      %add3A_246 = arith.constant 4 : i32
      %add3A_247 = arith.addi %mul3A_74, %add3A_246 : i32
      %dma_wait3A_248 = arith.constant 0 : i32
      %dma_wait3A_249 = arith.constant 4 : i32
      %dma_wait3A_250 = arith.constant 0 : i32
      %dma_wait3A_251 = arith.constant 0 : i32
      %dma_wait3A_252 = tpu.memref_slice %arg6[%dma_wait3A_249, %dma_wait3A_250, %dma_wait3A_251] : memref<5x128x128xf32, #tpu.memory_space<vmem>> -> memref<1x128x128xf32, #tpu.memory_space<vmem>>
      %dma_wait3A_253 = tpu.memref_squeeze %dma_wait3A_252 : memref<1x128x128xf32, #tpu.memory_space<vmem>> -> memref<128x128xf32, #tpu.memory_space<vmem>>
      %dma_wait3A_254 = arith.constant 0 : i32
      %dma_wait3A_255 = tpu.memref_slice %arg5[%dma_wait3A_248, %dma_wait3A_254] : memref<50x128xi32, #tpu.memory_space<vmem>> -> memref<1x128xi32, #tpu.memory_space<vmem>>
      %dma_wait3A_256 = tpu.memref_squeeze %dma_wait3A_255 : memref<1x128xi32, #tpu.memory_space<vmem>> -> memref<128xi32, #tpu.memory_space<vmem>>
      %dma_wait3A_257 = arith.constant 0 : i32
      %dma_wait3A_258 = arith.constant 0 : i32
      %dma_wait3A_259 = tpu.memref_slice %arg3[%dma_wait3A_257, %dma_wait3A_258] : memref<100000x128xf32, #tpu.memory_space<hbm>> -> memref<100000x128xf32, #tpu.memory_space<hbm>>
      tpu.wait_indirect_dma semaphore(%arg11 : memref<!tpu.dma_semaphore, #tpu.memory_space<semaphore_mem>>) src(%dma_wait3A_259 : memref<100000x128xf32, #tpu.memory_space<hbm>>) dst(%dma_wait3A_253 : memref<128x128xf32, #tpu.memory_space<vmem>>)
      %add3A_260 = arith.addi %mul3A_2, %add3A_247 : i32
      %mul3A_261 = arith.constant 128 : i32
      %mul3A_262 = arith.muli %add3A_260, %mul3A_261 : i32
      %dma_start3A_263 = arith.constant 4 : i32
      %dma_start3A_264 = arith.constant 0 : i32
      %dma_start3A_265 = arith.constant 0 : i32
      %dma_start3A_266 = tpu.memref_slice %arg6[%dma_start3A_263, %dma_start3A_264, %dma_start3A_265] : memref<5x128x128xf32, #tpu.memory_space<vmem>> -> memref<1x128x128xf32, #tpu.memory_space<vmem>>
      %dma_start3A_267 = tpu.memref_squeeze %dma_start3A_266 : memref<1x128x128xf32, #tpu.memory_space<vmem>> -> memref<128x128xf32, #tpu.memory_space<vmem>>
      %dma_start3A_268 = arith.constant 0 : i32
      %dma_start3A_269 = tpu.memref_slice %arg4[%mul3A_262, %dma_start3A_268] : memref<204800x128xf32, #tpu.memory_space<hbm>> -> memref<128x128xf32, #tpu.memory_space<hbm>>
      %dma_start3A_270 = arith.constant 0 : i32
      %dma_start3A_271 = tpu.memref_slice %arg4[%mul3A_262, %dma_start3A_270] : memref<204800x128xf32, #tpu.memory_space<hbm>> -> memref<128x128xf32, #tpu.memory_space<hbm>>
      %dma_start3A_272 = arith.constant 0 : i32
      %dma_start3A_273 = arith.constant 0 : i32
      %dma_start3A_274 = tpu.memref_slice %arg6[%dma_start3A_263, %dma_start3A_272, %dma_start3A_273] : memref<5x128x128xf32, #tpu.memory_space<vmem>> -> memref<1x128x128xf32, #tpu.memory_space<vmem>>
      %dma_start3A_275 = tpu.memref_squeeze %dma_start3A_274 : memref<1x128x128xf32, #tpu.memory_space<vmem>> -> memref<128x128xf32, #tpu.memory_space<vmem>>
      tpu.enqueue_dma source(%dma_start3A_275 : memref<128x128xf32, #tpu.memory_space<vmem>>) target(%dma_start3A_271 : memref<128x128xf32, #tpu.memory_space<hbm>>) target_semaphore(%arg16 : memref<!tpu.dma_semaphore, #tpu.memory_space<semaphore_mem>>)
      %add3A_276 = arith.constant 3 : i32
      %add3A_277 = arith.addi %add3A_247, %add3A_276 : i32
      %sub3A_278 = arith.constant 5 : i32
      %sub3A_279 = arith.subi %add3A_277, %sub3A_278 : i32
      %ge3A_280 = arith.constant 0 : i32
      %ge3A_281 = arith.cmpi sge, %sub3A_279, %ge3A_280 : i32
      %convert_element_type3A_282 = arith.extui %ge3A_281 : i1 to i32
      %cond3A_283 = arith.constant 0 : i32
      %cond3A_284 = arith.cmpi ne, %convert_element_type3A_282, %cond3A_283 : i32
      scf.if %cond3A_284 {
        %dma_wait3A_290 = arith.constant 2 : i32
        %dma_wait3A_291 = arith.constant 0 : i32
        %dma_wait3A_292 = arith.constant 0 : i32
        %dma_wait3A_293 = tpu.memref_slice %arg6[%dma_wait3A_290, %dma_wait3A_291, %dma_wait3A_292] : memref<5x128x128xf32, #tpu.memory_space<vmem>> -> memref<1x128x128xf32, #tpu.memory_space<vmem>>
        %dma_wait3A_294 = tpu.memref_squeeze %dma_wait3A_293 : memref<1x128x128xf32, #tpu.memory_space<vmem>> -> memref<128x128xf32, #tpu.memory_space<vmem>>
        %dma_wait3A_295 = arith.constant 0 : i32
        %dma_wait3A_296 = arith.constant 0 : i32
        %dma_wait3A_297 = tpu.memref_slice %arg4[%dma_wait3A_295, %dma_wait3A_296] : memref<204800x128xf32, #tpu.memory_space<hbm>> -> memref<128x128xf32, #tpu.memory_space<hbm>>
        %dma_wait3A_298 = arith.constant 0 : i32
        %dma_wait3A_299 = arith.constant 0 : i32
        %dma_wait3A_300 = tpu.memref_slice %arg4[%dma_wait3A_298, %dma_wait3A_299] : memref<204800x128xf32, #tpu.memory_space<hbm>> -> memref<128x128xf32, #tpu.memory_space<hbm>>
        %dma_wait3A_301 = arith.constant 0 : i32
        %dma_wait3A_302 = arith.constant 0 : i32
        %dma_wait3A_303 = tpu.memref_slice %arg6[%dma_wait3A_290, %dma_wait3A_301, %dma_wait3A_302] : memref<5x128x128xf32, #tpu.memory_space<vmem>> -> memref<1x128x128xf32, #tpu.memory_space<vmem>>
        %dma_wait3A_304 = tpu.memref_squeeze %dma_wait3A_303 : memref<1x128x128xf32, #tpu.memory_space<vmem>> -> memref<128x128xf32, #tpu.memory_space<vmem>>
        tpu.wait_dma2 semaphore(%arg14 : memref<!tpu.dma_semaphore, #tpu.memory_space<semaphore_mem>>) src(%dma_wait3A_304 : memref<128x128xf32, #tpu.memory_space<vmem>>) dst(%dma_wait3A_300 : memref<128x128xf32, #tpu.memory_space<hbm>>)
      } else {
      }
      %lt3A_285 = arith.constant 50 : i32
      %lt3A_286 = arith.cmpi slt, %add3A_277, %lt3A_285 : i32
      %convert_element_type3A_287 = arith.extui %lt3A_286 : i1 to i32
      %cond3A_288 = arith.constant 0 : i32
      %cond3A_289 = arith.cmpi ne, %convert_element_type3A_287, %cond3A_288 : i32
      scf.if %cond3A_289 {
        %dma_start3A_290 = arith.constant 2 : i32
        %dma_start3A_291 = arith.constant 0 : i32
        %dma_start3A_292 = arith.constant 0 : i32
        %dma_start3A_293 = tpu.memref_slice %arg6[%dma_start3A_290, %dma_start3A_291, %dma_start3A_292] : memref<5x128x128xf32, #tpu.memory_space<vmem>> -> memref<1x128x128xf32, #tpu.memory_space<vmem>>
        %dma_start3A_294 = tpu.memref_squeeze %dma_start3A_293 : memref<1x128x128xf32, #tpu.memory_space<vmem>> -> memref<128x128xf32, #tpu.memory_space<vmem>>
        %dma_start3A_295 = arith.constant 0 : i32
        %dma_start3A_296 = tpu.memref_slice %arg5[%add3A_277, %dma_start3A_295] : memref<50x128xi32, #tpu.memory_space<vmem>> -> memref<1x128xi32, #tpu.memory_space<vmem>>
        %dma_start3A_297 = tpu.memref_squeeze %dma_start3A_296 : memref<1x128xi32, #tpu.memory_space<vmem>> -> memref<128xi32, #tpu.memory_space<vmem>>
        %dma_start3A_298 = arith.constant 0 : i32
        %dma_start3A_299 = arith.constant 0 : i32
        %dma_start3A_300 = tpu.memref_slice %arg3[%dma_start3A_298, %dma_start3A_299] : memref<100000x128xf32, #tpu.memory_space<hbm>> -> memref<100000x128xf32, #tpu.memory_space<hbm>>
        tpu.enqueue_indirect_dma source(%dma_start3A_300 : memref<100000x128xf32, #tpu.memory_space<hbm>>) target(%dma_start3A_294 : memref<128x128xf32, #tpu.memory_space<vmem>>) offsets(%dma_start3A_297 : memref<128xi32, #tpu.memory_space<vmem>>) semaphore(%arg9 : memref<!tpu.dma_semaphore, #tpu.memory_space<semaphore_mem>>)
      } else {
      }
    }
    %scan3A_42 = arith.constant 10 : i32
    %dma_wait3A = arith.constant 3 : i32
    %dma_wait3A_43 = arith.constant 0 : i32
    %dma_wait3A_44 = arith.constant 0 : i32
    %dma_wait3A_45 = tpu.memref_slice %arg6[%dma_wait3A, %dma_wait3A_43, %dma_wait3A_44] : memref<5x128x128xf32, #tpu.memory_space<vmem>> -> memref<1x128x128xf32, #tpu.memory_space<vmem>>
    %dma_wait3A_46 = tpu.memref_squeeze %dma_wait3A_45 : memref<1x128x128xf32, #tpu.memory_space<vmem>> -> memref<128x128xf32, #tpu.memory_space<vmem>>
    %dma_wait3A_47 = arith.constant 0 : i32
    %dma_wait3A_48 = arith.constant 0 : i32
    %dma_wait3A_49 = tpu.memref_slice %arg4[%dma_wait3A_47, %dma_wait3A_48] : memref<204800x128xf32, #tpu.memory_space<hbm>> -> memref<128x128xf32, #tpu.memory_space<hbm>>
    %dma_wait3A_50 = arith.constant 0 : i32
    %dma_wait3A_51 = arith.constant 0 : i32
    %dma_wait3A_52 = tpu.memref_slice %arg4[%dma_wait3A_50, %dma_wait3A_51] : memref<204800x128xf32, #tpu.memory_space<hbm>> -> memref<128x128xf32, #tpu.memory_space<hbm>>
    %dma_wait3A_53 = arith.constant 0 : i32
    %dma_wait3A_54 = arith.constant 0 : i32
    %dma_wait3A_55 = tpu.memref_slice %arg6[%dma_wait3A, %dma_wait3A_53, %dma_wait3A_54] : memref<5x128x128xf32, #tpu.memory_space<vmem>> -> memref<1x128x128xf32, #tpu.memory_space<vmem>>
    %dma_wait3A_56 = tpu.memref_squeeze %dma_wait3A_55 : memref<1x128x128xf32, #tpu.memory_space<vmem>> -> memref<128x128xf32, #tpu.memory_space<vmem>>
    tpu.wait_dma2 semaphore(%arg15 : memref<!tpu.dma_semaphore, #tpu.memory_space<semaphore_mem>>) src(%dma_wait3A_56 : memref<128x128xf32, #tpu.memory_space<vmem>>) dst(%dma_wait3A_52 : memref<128x128xf32, #tpu.memory_space<hbm>>)
    %dma_wait3A_57 = arith.constant 4 : i32
    %dma_wait3A_58 = arith.constant 0 : i32
    %dma_wait3A_59 = arith.constant 0 : i32
    %dma_wait3A_60 = tpu.memref_slice %arg6[%dma_wait3A_57, %dma_wait3A_58, %dma_wait3A_59] : memref<5x128x128xf32, #tpu.memory_space<vmem>> -> memref<1x128x128xf32, #tpu.memory_space<vmem>>
    %dma_wait3A_61 = tpu.memref_squeeze %dma_wait3A_60 : memref<1x128x128xf32, #tpu.memory_space<vmem>> -> memref<128x128xf32, #tpu.memory_space<vmem>>
    %dma_wait3A_62 = arith.constant 0 : i32
    %dma_wait3A_63 = arith.constant 0 : i32
    %dma_wait3A_64 = tpu.memref_slice %arg4[%dma_wait3A_62, %dma_wait3A_63] : memref<204800x128xf32, #tpu.memory_space<hbm>> -> memref<128x128xf32, #tpu.memory_space<hbm>>
    %dma_wait3A_65 = arith.constant 0 : i32
    %dma_wait3A_66 = arith.constant 0 : i32
    %dma_wait3A_67 = tpu.memref_slice %arg4[%dma_wait3A_65, %dma_wait3A_66] : memref<204800x128xf32, #tpu.memory_space<hbm>> -> memref<128x128xf32, #tpu.memory_space<hbm>>
    %dma_wait3A_68 = arith.constant 0 : i32
    %dma_wait3A_69 = arith.constant 0 : i32
    %dma_wait3A_70 = tpu.memref_slice %arg6[%dma_wait3A_57, %dma_wait3A_68, %dma_wait3A_69] : memref<5x128x128xf32, #tpu.memory_space<vmem>> -> memref<1x128x128xf32, #tpu.memory_space<vmem>>
    %dma_wait3A_71 = tpu.memref_squeeze %dma_wait3A_70 : memref<1x128x128xf32, #tpu.memory_space<vmem>> -> memref<128x128xf32, #tpu.memory_space<vmem>>
    tpu.wait_dma2 semaphore(%arg16 : memref<!tpu.dma_semaphore, #tpu.memory_space<semaphore_mem>>) src(%dma_wait3A_71 : memref<128x128xf32, #tpu.memory_space<vmem>>) dst(%dma_wait3A_67 : memref<128x128xf32, #tpu.memory_space<hbm>>)
    return
  }
}

</mosaic_0001>

<sc_bundles>
// kernel: kernel.3.cloned.1.call-start
scs
__scs_entry_jumppad:
0x0: {  	(pc) =	sbr.rel $0x88, $3  }
0x1: {  	(tag) =	ssettag $0x0;
	lr =	simm.s32 $0x1  }
0x2: {  	[smem:$0x3F9F] =	sst lr;
	_ =	strace $0xD0000000  }
0x3: {  	_ = 	snop  }
0x4: {  	_ = 	snop  }
0x5: {  	_ = 	snop  }
0x6: {  	_ = 	snop  }
0x7: {  	_ = 	snop  }
__scs_overlays_trampoline_lowered:
0x8: {  	[smem:$0x3FAE] =	sst s0  }
0x9: {  	[smem:$0x3FAF] =	sst s1  }
0xa: {  	[smem:$0x3FB0] =	sst s2  }
0xb: {  	[smem:$0x3FB1] =	sst s3  }
0xc: {  	[smem:$0x3FB2] =	sst s4  }
0xd: {  	[smem:$0x3FB3] =	sst s5  }
0xe: {  	[smem:$0x3FB4] =	sst s6  }
0xf: {  	[smem:$0x3FB5] =	sst s7  }
0x10: {  	[smem:$0x3FB6] =	sst s8  }
0x11: {  	[smem:$0x3FB7] =	sst s9;
	s0 =	simm.s32 @!p0 $0x0  }
0x12: {  	s1 =	sld [smem:$0x3F9D];
	s0 =	simm.s32 @p0 $0x1  }
0x13: {  	[smem:$0x3FB8] =	sst s0;
	s0 =	simm.s32 @!p1 $0x0  }
0x14: {  	s2 =	sld [smem:$0x3F9C];
	s0 =	simm.s32 @p1 $0x1  }
0x15: {  	[smem:$0x3FB9] =	sst s0;
	s0 =	simm.s32 @!p2 $0x0  }
0x16: {  	s3 =	sld [smem:$0x3FDB];
	s0 =	simm.s32 @p2 $0x1  }
0x17: {  	s4 =	simm.s32 $0x1BF5;
	[smem:$0x3FBB] =	sst s0  }
0x18: {  	s0 =	sld [smem:$0x3F9E];
	_ =	swait.ge [sflag:s4], $0x0  }
0x19: {  	s7 =	sld [smem:$0x3F9F]  }
0x1a: {  	s8 =	sadd.s32 $0xFFFFE003, lr  }
0x1b: {  	s9 =	sadd.s32 $0xFFFFFEF7, lr;
	s5 =	simm.s32 $0xFFFFFFFF;
	p2 =	slt.u32 s8, $0xFFFFF086  }
0x1c: {  	p1 =	slt.u32 s9, $0xF7A;
	s5 =	simm.s32 @!p2 $0x0  }
0x1d: {  	s5 =	simm.s32 @p1 $0x1;
	p0 =	seq.s32 s7, s2  }
0x1e: {  	s7 =	smul.u32 @!p0 $0xF7A, s2;
	p2 =	seq.s32 @!p0 s5, $0x0  }
0x1f: {  	s9 =	smul.u32 $0xF7A, s1;
	s8 =	simm.s32 @!p0 $0x1BF5;
	p2 =	por !p2, p0  }
0x20: {  	[sflag:s8] =	ssyncset.s32 @!p0 $0xFFFFF086;
	s6 =	sadd.s32 @!p0 s3, s7;
	s7 =	simm.s32 @!p0 $0x108  }
0x21: {  	s3 =	sadd.s32 s3, s9;
	s6 =	sadd.s32 @!p0 $0x88, s6;
	s7 =	simm.s32 @p2 $0x1082  }
0x22: {  	[simem:s7], [sflag:s8] =	dma.local @!p0 [hbm:s6], $0xF7A  }
0x23: {  	s9 =	sor.u32 $0xD0000000, s2;
	s6 =	simm.s32 $0x108;
	_ =	swait.ge @!p0 [sflag:s8], $0x0  }
0x24: {  	s3 =	sadd.s32 $0x88, s3;
	s6 =	simm.s32 @!p1 $0x1082;
	[sflag:s4] =	ssyncset.s32 $0xFFFFF086  }
0x25: {  	[simem:s6], [sflag:s4] =	dma.local [hbm:s3], $0xF7A  }
0x26: {  	[smem:$0x3F9F] =	sst s1;
	(tag) =	ssettag s2;
	_ =	strace s9  }
0x27: {  	s1 =	sld [smem:$0x3FAF]  }
0x28: {  	s2 =	sld [smem:$0x3FB0]  }
0x29: {  	s4 =	sld [smem:$0x3FB2]  }
0x2a: {  	p0 =	seq.s32 s5, $0x0;
	s5 =	sld [smem:$0x3FB3]  }
0x2b: {  	s6 =	sld [smem:$0x3FB4]  }
0x2c: {  	s7 =	sld [smem:$0x3FB5]  }
0x2d: {  	s3 =	simm.s32 $0x108;
	s8 =	sld [smem:$0x3FB6]  }
0x2e: {  	s3 =	simm.s32 @!p0 $0x1082;
	s9 =	sld [smem:$0x3FB7]  }
0x2f: {  	lr =	sadd.s32 s0, s3;
	s0 =	sld [smem:$0x3FAE]  }
0x30: {  	s3 =	sld [smem:$0x3FB1]  }
0x31: {  	[smem:$0x3FBA] =	sst s10  }
0x32: {  	s10 =	sld [smem:$0x3FB8];
	_ =	sdelay $0x3  }
0x33: {  	p0 =	seq.s32 s10, $0x1;
	s10 =	sld [smem:$0x3FBA];
	_ =	sdelay $0x3  }
0x34: {  	[smem:$0x3FBA] =	sst s10  }
0x35: {  	s10 =	sld [smem:$0x3FB9];
	_ =	sdelay $0x3  }
0x36: {  	p1 =	seq.s32 s10, $0x1;
	s10 =	sld [smem:$0x3FBA];
	_ =	sdelay $0x3  }
0x37: {  	[smem:$0x3FBA] =	sst s10  }
0x38: {  	s10 =	sld [smem:$0x3FBB]  }
0x39: {  	_ = 	snop;
	(pc) =	sbr.ind lr, $3  }
0x3a: {  	_ = 	snop  }
0x3b: {  	_ = 	snop  }
0x3c: {  	p2 =	seq.s32 s10, $0x1;
	s10 =	sld [smem:$0x3FBA]  }
0x3d: {  	_ =	shalt  }
0x3e: {  	_ =	shalt  }
0x3f: {  	_ =	shalt  }
0x40: {  	_ =	shalt  }
0x41: {  	_ =	shalt  }
0x42: {  	_ =	shalt  }
0x43: {  	_ =	shalt  }
0x44: {  	_ =	shalt  }
0x45: {  	_ =	shalt  }
0x46: {  	_ =	shalt  }
0x47: {  	_ =	shalt  }
0x48: {  	_ =	shalt  }
0x49: {  	_ =	shalt  }
0x4a: {  	_ =	shalt  }
0x4b: {  	_ =	shalt  }
0x4c: {  	_ =	shalt  }
0x4d: {  	_ =	shalt  }
0x4e: {  	_ =	shalt  }
0x4f: {  	_ =	shalt  }
0x50: {  	_ =	shalt  }
0x51: {  	_ =	shalt  }
0x52: {  	_ =	shalt  }
0x53: {  	_ =	shalt  }
0x54: {  	_ =	shalt  }
0x55: {  	_ =	shalt  }
0x56: {  	_ =	shalt  }
0x57: {  	_ =	shalt  }
0x58: {  	_ =	shalt  }
0x59: {  	_ =	shalt  }
0x5a: {  	_ =	shalt  }
0x5b: {  	_ =	shalt  }
0x5c: {  	_ =	shalt  }
0x5d: {  	_ =	shalt  }
0x5e: {  	_ =	shalt  }
0x5f: {  	_ =	shalt  }
0x60: {  	_ =	shalt  }
0x61: {  	_ =	shalt  }
0x62: {  	_ =	shalt  }
0x63: {  	_ =	shalt  }
0x64: {  	_ =	shalt  }
0x65: {  	_ =	shalt  }
0x66: {  	_ =	shalt  }
0x67: {  	_ =	shalt  }
0x68: {  	_ =	shalt  }
0x69: {  	_ =	shalt  }
0x6a: {  	_ =	shalt  }
0x6b: {  	_ =	shalt  }
0x6c: {  	_ =	shalt  }
0x6d: {  	_ =	shalt  }
0x6e: {  	_ =	shalt  }
0x6f: {  	_ =	shalt  }
0x70: {  	_ =	shalt  }
0x71: {  	_ =	shalt  }
0x72: {  	_ =	shalt  }
0x73: {  	_ =	shalt  }
0x74: {  	_ =	shalt  }
0x75: {  	_ =	shalt  }
0x76: {  	_ =	shalt  }
0x77: {  	_ =	shalt  }
0x78: {  	_ =	shalt  }
0x79: {  	_ =	shalt  }
0x7a: {  	_ =	shalt  }
0x7b: {  	_ =	shalt  }
0x7c: {  	_ =	shalt  }
0x7d: {  	_ =	shalt  }
0x7e: {  	_ =	shalt  }
0x7f: {  	_ =	shalt  }
0x80: {  	_ =	shalt  }
0x81: {  	_ =	shalt  }
0x82: {  	_ =	shalt  }
0x83: {  	_ =	shalt  }
0x84: {  	_ =	shalt  }
0x85: {  	_ =	shalt  }
0x86: {  	_ =	shalt  }
0x87: {  	_ =	shalt  }
.Lfunc_end0:
.L_simem_size_0:
called_computation.1_lowered:
.L_overlay_start_0:
0x88: {  	s2 =	sld [smem:$0x3FD9]  }
0x89: {  	s3 =	sld [smem:$0x3FFE];
	_ =	sdelay $0x1  }
0x8a: {  	s1 =	srdreg.scid  }
0x8b: {  	s0 =	sand.u32 $0x1, s1  }
0x8c: {  	s17 =	sshll.u32 s0, $0xA;
	s2 =	sadd.s32 s3, s2  }
0x8d: {  	s2 =	sadd.s32 s2, s17  }
0x8e: {  	[smem:$0x3FC6] =	sst s2  }
0x8f: {  	_ = 	snop  }
0x90: {  	s2 =	sld [smem:$0x3FC8]  }
0x91: {  	s18 =	sld [smem:$0x3FD0];
	(tm) =	ssettm $0x1  }
0x92: {  	s4 =	sld [smem:$0x3FFB];
	_ =	sdelay $0x3  }
0x93: {  	_ =	strace s4  }
0x94: {  	s4 =	sld [smem:$0x3FFC];
	_ =	sdelay $0x3  }
0x95: {  	_ =	strace s4  }
0x96: {  	s4 =	sld [smem:$0x3FFD];
	_ =	sdelay $0x3  }
0x97: {  	_ =	strace s4  }
0x98: {  	_ =	strace $0x8FFFFFFF  }
0x99: {  	s19 =	sld [smem:$0x3FDB];
	_ =	sdelay $0x1  }
0x9a: {  	s5 =	simm.s32 $_scs_section_size  }
0x9b: {  	s6 =	simm.s32 $_size__tile_overlayer_lowered;
	s7 =	simm.s32 $_tile_overlayer_lowered  }
0x9c: {  	s22 =	simm.s32 $0x1BFF;
	s21 =	sshll.u32 s7, $0x1;
	s4 =	sadd.s32 s5, s19  }
0x9d: {  	s8 =	simm.s32 $0x0;
	s20 =	sshll.u32 s6, $0x1;
	s6 =	sadd.s32 s21, s4  }
0x9e: {  	[timem:s8], [sflag:s22] =	dma.local [hbm:s6], s20  }
0x9f: {  	_ =	swait.ge [sflag:s22], s20  }
0xa0: {  	s5 =	ssub.s32 $0x0, s20;
	[sflag:s22] =	ssyncset.done $0x0  }
0xa1: {  	[sflag:s22] =	ssyncadd.s32 s5;
	_ =	sdelay $0x1  }
0xa2: {  	s23 =	simm.s32 $0x1B8B  }
0xa3: {  	_ =	swait.ge [sflag:s23], $0x1  }
0xa4: {  	[sflag:s23] =	ssyncset.done $0x0  }
0xa5: {  	s25 =	simm.s32 $0x1B8E;
	s24 =	sld [smem:$0x3FFE];
	[sflag:s23] =	ssyncadd.s32 $0xFFFFFFFF  }
0xa6: {  	s26 =	simm.s32 $execute0_lowered;
	[smem:$0x3FD2] =	sst s25  }
0xa7: {  	s6 =	sshll.u32 s26, $0x1;
	_ =	strace $0x80000046;
	[dreg:$0x1] =	wrdreg $0xFFFFFFFF  }
0xa8: {  	s28 =	simm.s32 $_size_execute0_lowered;
	s4 =	sadd.s32 s4, s6;
	[dreg:$0x0] =	wrdreg $0x0  }
0xa9: {  	s6 =	sshll.u32 s28, $0x1;
	[dreg:$0x2] =	wrdreg s4  }
0xaa: {  	[dreg:$0x3] =	wrdreg s6  }
0xab: {  	[dreg:$0x4] =	wrdreg $0xC0  }
0xac: {  	_ =	task [dreg:s8], $0x5FFFF  }
0xad: {  	[dreg:$0x1] =	wrdreg $0xFFFFFFFF  }
0xae: {  	[dreg:$0x0] =	wrdreg $0x60  }
0xaf: {  	[dreg:$0x2] =	wrdreg s24  }
0xb0: {  	[dreg:$0x3] =	wrdreg s2  }
0xb1: {  	[dreg:$0x4] =	wrdreg s18  }
0xb2: {  	[dreg:$0x5] =	wrdreg $0x9  }
0xb3: {  	_ =	task.clear_ibuf [dreg:s8], $0x6FFFF;
	_ =	strace $0x90000046  }
0xb4: {  	s29 =	simm.s32 $0x9;
	_ =	strace $0x80000048  }
0xb5: {  	_ =	swait.ge [sflag:s29], $0x1  }
0xb6: {  	[sflag:s29] =	ssyncadd.s32 $0xFFFFFFFF  }
0xb7: {  	_ =	strace $0x90000048  }
0xb8: {  	_ =	sfence  }
0xb9: {  	s30 =	sld [smem:$0x0];
	_ =	sdelay $0x2  }
0xba: {  	s31 =	sshll.u32 s1, $0xD;
	s1 =	sshrl.u32 s1, $0x2  }
0xbb: {  	s3 =	sand.u32 $0x4000, s31;
	s1 =	sadd.s32 s1, s30  }
0xbc: {  	s0 =	sor.u32 s3, s0;
	s1 =	sshll.u32 s1, $0x11  }
0xbd: {  	s0 =	sor.u32 s1, s0  }
0xbe: {  	s0 =	sadd.s32 $0x8F2B, s0  }
0xbf: {  	[sflag:s0] =	ssyncadd.remote.s32 $0x1  }
0xc0: {  	_ =	sfence.sel $0xFFFF  }
0xc1: {  	[dreg:$0x0] =	wrdreg $0xFFFFFFFF;
	(pc) =	sbr.abs _section_cstart, $3  }
0xc2: {  	[dreg:$0x1] =	wrdreg $0xFFFFFFFF  }
0xc3: {  	_ =	task.clear_ibuf [dreg:s8], $0x2FFFF;
	_ =	strace $0x9FFFFFFF  }
0xc4: {  	(tm) =	ssettm $0x7FFFFFFF  }
0xc5: {  	_ =	shalt  }
tec
execute0_lowered:
.L_overlay_start_1:
0x0: {  	(tag) =	ssettag $0x1  }
0x1: {  	s1 =	rddreg [dreg:$0x0]  }
0x2: {  	s0 =	srdreg.scid;
	s2 =	rddreg [dreg:$0x1]  }
0x3: {  	s10 =	stileid.u32;
	s4 =	rddreg [dreg:$0x2];
	s11 =	simm.s32 $0x80  }
0x4: {  	s12 =	simm.s32 $0x1C00;
	s13 =	simm.s32 $0x5C00;
	s15 =	simm.s32 $0x9C00  }
0x5: {  	s16 =	simm.s32 $0x1;
	s17 =	simm.s32 $0xDC00;
	s18 =	simm.s32 $0x2  }
0x6: {  	s19 =	simm.s32 $0x11C00;
	s20 =	simm.s32 $0x3;
	s28 =	simm.s32 $0xA  }
0x7: {  	s29 =	simm.s32 $0x0;
	s0 =	sand.u32 $0x1, s0;
	s6 =	smul.u32 $0x64, s10  }
0x8: {  	s3 =	sshll.u32 s10, $0x1;
	s23 =	smul.u32 $0x32000, s10;
	s10 =	simm.s32 $0xB  }
0x9: {  	s3 =	sor.u32 s0, s3;
	s7 =	ssub.s32 $0x2, s0;
	s8 =	smul.u32 $0x32, s0  }
0xa: {  	s5 =	smul.u32 $0x380, s3;
	s3 =	simm.s32 $0x0;
	s9 =	sshrl.u32 s7, $0x1  }
0xb: {  	s25 =	smul.u32 $0x19000, s0;
	[smem:$0x7FF] =	sst s3;
	s21 =	ssub.s32 s7, s9  }
0xc: {  	s6 =	sadd.s32 s8, s6;
	_ =	strace $0x80000047;
	s1 =	sadd.s32 s5, s1  }
0xd: {  	s22 =	sshll.u32 s6, $0xB;
	s5 =	smax.u32 s21, $0x1;
	s21 =	simm.s32 $0x6  }
0xe: {  	s1 =	sadd.s32 $0x800, s1;
	[dreg:$0x5] =	wrdreg s5;
	s24 =	sadd.s32 s22, s4  }
.Ltmp0:
0xf: {  	s4 =	sadd.s32 s23, s4;
	s22 =	simm.s32 $0x4;
	(pc) =	sbr.rel .LBB2_1-.Ltmp0, $4  }
0x10: {  	s23 =	simm.s32 $0x7;
	[dreg:$0x4] =	wrdreg s1;
	s26 =	sadd.s32 $0x1000, s24  }
0x11: {  	s30 =	sadd.s32 $0x800, s24;
	s31 =	sadd.s32 $0x2000, s24;
	[dreg:$0x6] =	wrdreg s26  }
0x12: {  	s9 =	sadd.s32 s25, s4;
	s24 =	simm.s32 $0x5;
	[dreg:$0x7] =	wrdreg s30  }
0x13: {  	s25 =	simm.s32 $0x8;
	[dreg:$0x8] =	wrdreg s31;
	s26 =	simm.s32 $0x9  }
.LBB2_4:
0x14: {  	_ =	swait.ge [sflag:s26], $0x4000  }
0x15: {  	[sflag:s26] =	ssyncset.done $0x0  }
0x16: {  	[sflag:s26] =	ssyncadd.s32 $0xFFFFC000  }
0x17: {  	_ =	swait.ge [sflag:s28], $0x4000  }
0x18: {  	s29 =	sadd.s32 $0x1, s29;
	s0 =	rddreg [dreg:$0x5]  }
0x19: {  	p0 =	sne.s32 s29, s0  }
.Ltmp1:
0x1a: {  	_ = 	snop;
	(pc) =	sbr.rel @!p0 .LBB2_5-.Ltmp1, $3  }
0x1b: {  	_ =	sdelay $0x1  }
0x1c: {  	[sflag:s28] =	ssyncset.done $0x0  }
0x1d: {  	[sflag:s28] =	ssyncadd.s32 $0xFFFFC000  }
.LBB2_1:
0x1e: {  	s0 =	rddreg [dreg:$0x4]  }
0x1f: {  	[tilespmem:s3], [sflag:$0xB] =	stream.linear.gather [hbm4b:s0+s3], $0x1900, $0x38;
	[tilespmem:$0x15C00] =	vst v63  }
0x20: {  	_ =	swait.ge [sflag:s10], $0x1900  }
0x21: {  	[sflag:s10] =	ssyncset.done $0x0  }
0x22: {  	[sflag:s10] =	ssyncadd.s32 $0xFFFFE700  }
0x23: {  	[tilespmem:s12], [sflag:$0x1] =	stream.indirect.gather [hbm4b:s2+s11], $0x80, s3, s11, $0xb8;
	[tilespmem:$0x15C00] =	vst v63  }
0x24: {  	s31 =	rddreg [dreg:$0x8]  }
0x25: {  	[tilespmem:s13], [sflag:$0x2] =	stream.indirect.gather [hbm4b:s2+s11], $0x80, s11, s11, $0xb8;
	[tilespmem:$0x15C00] =	vst v63  }
0x26: {  	s14 =	simm.s32 $0x100;
	s7 =	rddreg [dreg:$0x7]  }
0x27: {  	[tilespmem:s15], [sflag:$0x3] =	stream.indirect.gather [hbm4b:s2+s11], $0x80, s14, s11, $0xb8;
	[tilespmem:$0x15C00] =	vst v63  }
0x28: {  	s30 =	smov.u32 s9;
	s6 =	rddreg [dreg:$0x6];
	s14 =	simm.s32 $0x0  }
.LBB2_2:
0x29: {  	_ =	swait.ge [sflag:s16], $0x4000  }
0x2a: {  	p0 =	seq.s32 s14, $0x0;
	[sflag:s16] =	ssyncset.done $0x0  }
0x2b: {  	s5 =	simm.s32 @!p0 $0x9;
	[sflag:s16] =	ssyncadd.s32 $0xFFFFC000  }
0x2c: {  	[hbm4b:s30+s3] =	stream.linear.scatter [tilespmem:s12], [sflag:$0x6], $0x4000, $0x38;
	[tilespmem:$0x15C00] =	vst v63  }
0x2d: {  	_ =	swait.ge @!p0 [sflag:s5], $0x4000  }
0x2e: {  	s4 =	sshra.s32 s14, $0x2;
	[sflag:s5] =	ssyncset.done @!p0 $0x0  }
0x2f: {  	s0 =	sadd.s32 $0x180, s4;
	[sflag:s5] =	ssyncadd.s32 @!p0 $0xFFFFC000  }
0x30: {  	[tilespmem:s17], [sflag:$0x4] =	stream.indirect.gather [hbm4b:s2+s11], $0x80, s0, s11, $0xb8;
	[tilespmem:$0x15C00] =	vst v63  }
0x31: {  	_ =	swait.ge [sflag:s18], $0x4000  }
0x32: {  	[sflag:s18] =	ssyncset.done $0x0  }
0x33: {  	s5 =	simm.s32 @!p0 $0xA;
	[sflag:s18] =	ssyncadd.s32 $0xFFFFC000  }
0x34: {  	[hbm4b:s7+s3] =	stream.linear.scatter [tilespmem:s13], [sflag:$0x7], $0x4000, $0x38;
	[tilespmem:$0x15C00] =	vst v63  }
0x35: {  	_ =	swait.ge @!p0 [sflag:s5], $0x4000  }
0x36: {  	[sflag:s5] =	ssyncset.done @!p0 $0x0  }
0x37: {  	s1 =	sadd.s32 $0x200, s4;
	[sflag:s5] =	ssyncadd.s32 @!p0 $0xFFFFC000  }
0x38: {  	[tilespmem:s19], [sflag:$0x5] =	stream.indirect.gather [hbm4b:s2+s11], $0x80, s1, s11, $0xb8;
	[tilespmem:$0x15C00] =	vst v63  }
0x39: {  	_ =	swait.ge [sflag:s20], $0x4000  }
0x3a: {  	[sflag:s20] =	ssyncset.done $0x0  }
0x3b: {  	[sflag:s20] =	ssyncadd.s32 $0xFFFFC000  }
0x3c: {  	[hbm4b:s6+s3] =	stream.linear.scatter [tilespmem:s15], [sflag:$0x8], $0x4000, $0x38;
	[tilespmem:$0x15C00] =	vst v63  }
0x3d: {  	p0 =	seq.s32 s14, $0x5A00;
	_ =	swait.ge [sflag:s21], $0x4000  }
0x3e: {  	s5 =	sshra.s32 @!p0 s14, $0x2;
	s1 =	simm.s32 @!p0 $0x80;
	[sflag:s21] =	ssyncset.done $0x0  }
0x3f: {  	s8 =	simm.s32 @!p0 $0x1C00;
	s0 =	sadd.s32 @!p0 $0x280, s5;
	[sflag:s21] =	ssyncadd.s32 $0xFFFFC000  }
0x40: {  	[tilespmem:s8], [sflag:$0x1] =	stream.indirect.gather @!p0 [hbm4b:s2+s1], $0x80, s0, s1, $0xb8;
	[tilespmem:$0x15C00] =	vst v63  }
0x41: {  	_ =	swait.ge [sflag:s22], $0x4000  }
0x42: {  	[sflag:s22] =	ssyncset.done $0x0  }
0x43: {  	s8 =	sadd.s32 $0x800, s6;
	[sflag:s22] =	ssyncadd.s32 $0xFFFFC000  }
0x44: {  	[hbm4b:s8+s3] =	stream.linear.scatter [tilespmem:s17], [sflag:$0x9], $0x4000, $0x38;
	[tilespmem:$0x15C00] =	vst v63  }
0x45: {  	_ =	swait.ge [sflag:s23], $0x4000  }
0x46: {  	[sflag:s23] =	ssyncset.done $0x0  }
0x47: {  	s0 =	sadd.s32 @!p0 $0x300, s5;
	s5 =	simm.s32 @!p0 $0x5C00;
	[sflag:s23] =	ssyncadd.s32 $0xFFFFC000  }
0x48: {  	[tilespmem:s5], [sflag:$0x2] =	stream.indirect.gather @!p0 [hbm4b:s2+s1], $0x80, s0, s1, $0xb8;
	[tilespmem:$0x15C00] =	vst v63  }
0x49: {  	_ =	swait.ge [sflag:s24], $0x4000  }
0x4a: {  	[sflag:s24] =	ssyncset.done $0x0  }
.Ltmp2:
0x4b: {  	[sflag:s24] =	ssyncadd.s32 $0xFFFFC000;
	(pc) =	sbr.rel @p0 .LBB2_4-.Ltmp2, $4  }
0x4c: {  	[hbm4b:s31+s3] =	stream.linear.scatter [tilespmem:s19], [sflag:$0xA], $0x4000, $0x38;
	[tilespmem:$0x15C00] =	vst v63  }
0x4d: {  	_ =	swait.ge [sflag:s25], $0x4000  }
0x4e: {  	[sflag:s25] =	ssyncset.done $0x0  }
0x4f: {  	[sflag:s25] =	ssyncadd.s32 $0xFFFFC000  }
.Ltmp3:
0x50: {  	(pc) =	sbr.rel .LBB2_2-.Ltmp3, $4  }
0x51: {  	_ = 	snop  }
0x52: {  	s0 =	sadd.s32 $0x380, s4;
	s14 =	sadd.s32 $0xA00, s14;
	s6 =	sadd.s32 $0x2800, s6  }
0x53: {  	s7 =	sadd.s32 $0x2800, s7;
	s31 =	sadd.s32 $0x2800, s31;
	s30 =	sadd.s32 $0x2800, s30  }
0x54: {  	[tilespmem:s15], [sflag:$0x3] =	stream.indirect.gather [hbm4b:s2+s11], $0x80, s0, s11, $0xb8;
	[tilespmem:$0x15C00] =	vst v63  }
.LBB2_5:
0x55: {  	_ =	sfence.sel $0x180000  }
0x56: {  	[bflag:$0x0] =	sbarrier.arrive $0xFFFF  }
0x57: {  	_ =	strace $0x90000047  }
0x58: {  	s0 =	stileid.u32;
	[bflag:$0x2] =	sbarrier.arrive $0xFFFF  }
0x59: {  	p0 =	sne.s32 s0, $0x0;
	s0 =	rddreg [dreg:$0x3]  }
0x5a: {  	s0 =	sadd.s32 @!p0 $0x100000, s0  }
0x5b: {  	[sflag:s0] =	ssyncadd.tile.s32 @!p0 $0x1;
	_ =	shalt  }
.Lfunc_end2:
_tile_overlayer_lowered:
.L_overlay_start_2:
0x5c: {  	(tag) =	ssettag $0x2  }
0x5d: {  	s0 =	rddreg [dreg:$0x0];
	s2 =	stileid.u32  }
0x5e: {  	s1 =	rddreg [dreg:$0x1];
	p0 =	sne.s32 s2, $0x0  }
0x5f: {  	s3 =	rddreg [dreg:$0x2];
	[bflag:$0x3] =	sbarrier.arrive $0xFFFF;
	s2 =	simm.s32 @!p0 $0x1C0B  }
0x60: {  	[timem:s3], [sflag:s2] =	dma.local @!p0 [hbm:s0], s1  }
0x61: {  	s0 =	simm.s32 @!p0 $0xB  }
0x62: {  	_ =	swait.ge @!p0 [sflag:s0], s1  }
0x63: {  	s1 =	ssub.s32 @!p0 $0x0, s1;
	[sflag:s0] =	ssyncset.done @!p0 $0x0  }
0x64: {  	[sflag:s0] =	ssyncadd.s32 @!p0 s1  }
0x65: {  	[bflag:$0x3] =	sbarrier.arrive $0xFFFF  }
0x66: {  	_ =	shalt  }

// kernel: sparse-core-data-format-call.cloned.1.call-start
scs
called_computation_lowered:
.L_overlay_start_0:
0x0: {  	s2 =	sld [smem:$0x3FD9]  }
0x1: {  	s3 =	sld [smem:$0x3FFE];
	_ =	sdelay $0x1  }
0x2: {  	s1 =	srdreg.scid  }
0x3: {  	s0 =	sand.u32 $0x1, s1  }
0x4: {  	s18 =	sshll.u32 s0, $0xA;
	s2 =	sadd.s32 s3, s2  }
0x5: {  	s2 =	sadd.s32 s2, s18  }
0x6: {  	[smem:$0x3FC6] =	sst s2  }
0x7: {  	_ = 	snop  }
0x8: {  	s2 =	sld [smem:$0x3FD0];
	(tm) =	ssettm $0x1  }
0x9: {  	s19 =	sld [smem:$0x3FFB];
	_ =	sdelay $0x3  }
0xa: {  	_ =	strace s19  }
0xb: {  	s3 =	sld [smem:$0x3FFC];
	_ =	sdelay $0x3  }
0xc: {  	_ =	strace s3  }
0xd: {  	s3 =	sld [smem:$0x3FFD];
	_ =	sdelay $0x3  }
0xe: {  	_ =	strace s3  }
0xf: {  	_ =	strace $0x8FFFFFFF  }
0x10: {  	s20 =	sld [smem:$0x3FDB];
	_ =	sdelay $0x1  }
0x11: {  	s4 =	simm.s32 $_scs_section_size  }
0x12: {  	s5 =	simm.s32 $_size__tile_overlayer_lowered;
	s6 =	simm.s32 $_tile_overlayer_lowered  }
0x13: {  	s23 =	simm.s32 $0x1BFF;
	s22 =	sshll.u32 s6, $0x1;
	s3 =	sadd.s32 s4, s20  }
0x14: {  	s7 =	simm.s32 $0x0;
	s21 =	sshll.u32 s5, $0x1;
	s5 =	sadd.s32 s22, s3  }
0x15: {  	[timem:s7], [sflag:s23] =	dma.local [hbm:s5], s21  }
0x16: {  	_ =	swait.ge [sflag:s23], s21  }
0x17: {  	s4 =	ssub.s32 $0x0, s21;
	[sflag:s23] =	ssyncset.done $0x0  }
0x18: {  	[sflag:s23] =	ssyncadd.s32 s4;
	_ =	sdelay $0x1  }
0x19: {  	s24 =	simm.s32 $0x1B8B  }
0x1a: {  	_ =	swait.ge [sflag:s24], $0x1  }
0x1b: {  	[sflag:s24] =	ssyncset.done $0x0  }
0x1c: {  	s26 =	simm.s32 $0x1B8E;
	s25 =	sld [smem:$0x3FFE];
	[sflag:s24] =	ssyncadd.s32 $0xFFFFFFFF  }
0x1d: {  	s27 =	simm.s32 $execute0_lowered;
	[smem:$0x3FD2] =	sst s26  }
0x1e: {  	s5 =	sshll.u32 s27, $0x1;
	_ =	strace $0x80000049;
	[dreg:$0x1] =	wrdreg $0xFFFFFFFF  }
0x1f: {  	s28 =	simm.s32 $_size_execute0_lowered;
	s3 =	sadd.s32 s3, s5;
	[dreg:$0x0] =	wrdreg $0x0  }
0x20: {  	s5 =	sshll.u32 s28, $0x1;
	[dreg:$0x2] =	wrdreg s3  }
0x21: {  	[dreg:$0x3] =	wrdreg s5  }
0x22: {  	[dreg:$0x4] =	wrdreg $0xC0  }
0x23: {  	_ =	task [dreg:s7], $0x5FFFF  }
0x24: {  	[dreg:$0x1] =	wrdreg $0xFFFFFFFF  }
0x25: {  	[dreg:$0x0] =	wrdreg $0x60  }
0x26: {  	[dreg:$0x2] =	wrdreg s25  }
0x27: {  	[dreg:$0x3] =	wrdreg s2  }
0x28: {  	[dreg:$0x4] =	wrdreg $0x9  }
0x29: {  	_ =	task.clear_ibuf [dreg:s7], $0x5FFFF;
	_ =	strace $0x90000049  }
0x2a: {  	s29 =	simm.s32 $0x9;
	_ =	strace $0x8000004B  }
0x2b: {  	_ =	swait.ge [sflag:s29], $0x1  }
0x2c: {  	[sflag:s29] =	ssyncadd.s32 $0xFFFFFFFF  }
0x2d: {  	_ =	strace $0x9000004B  }
0x2e: {  	_ =	sfence  }
0x2f: {  	s30 =	sld [smem:$0x0];
	_ =	sdelay $0x2  }
0x30: {  	s31 =	sshll.u32 s1, $0xD;
	s1 =	sshrl.u32 s1, $0x2  }
0x31: {  	s3 =	sand.u32 $0x4000, s31;
	s1 =	sadd.s32 s1, s30  }
0x32: {  	s0 =	sor.u32 s3, s0;
	s1 =	sshll.u32 s1, $0x11  }
0x33: {  	s0 =	sor.u32 s1, s0  }
0x34: {  	s0 =	sadd.s32 $0x8F2B, s0  }
0x35: {  	[sflag:s0] =	ssyncadd.remote.s32 $0x1  }
0x36: {  	_ =	sfence.sel $0xFFFF  }
0x37: {  	[dreg:$0x0] =	wrdreg $0xFFFFFFFF;
	(pc) =	sbr.abs _section_cstart, $3  }
0x38: {  	[dreg:$0x1] =	wrdreg $0xFFFFFFFF  }
0x39: {  	_ =	task.clear_ibuf [dreg:s7], $0x2FFFF;
	_ =	strace $0x9FFFFFFF  }
0x3a: {  	(tm) =	ssettm $0x7FFFFFFF  }
0x3b: {  	_ =	shalt  }
tec
execute0_lowered:
.L_overlay_start_1:
0x0: {  	(tag) =	ssettag $0x1  }
0x1: {  	s0 =	srdreg.scid  }
0x2: {  	s1 =	sshll.u32 s0, $0x4  }
0x3: {  	s0 =	stileid.u32;
	s1 =	sand.u32 $0x10, s1  }
0x4: {  	s1 =	sor.u32 s0, s1  }
0x5: {  	s6 =	rddreg [dreg:$0x0];
	s4 =	simm.s32 $0x1;
	s2 =	sshll.u32 s1, $0x6  }
0x6: {  	s7 =	simm.s32 $0x2;
	s13 =	simm.s32 $0x0;
	s1 =	ssub.s32 $0x1000, s2  }
0x7: {  	s8 =	simm.s32 $0x2000;
	s9 =	simm.s32 $0x80000;
	s3 =	sand.u32 $0x7C0, s1  }
0x8: {  	s14 =	simm.s32 $0x0;
	s5 =	sshrl.u32 s1, $0xB;
	p0 =	sne.s32 s3, $0x0  }
.Ltmp0:
0x9: {  	s1 =	rddreg [dreg:$0x2];
	s4 =	simm.s32 @!p0 $0x0;
	(pc) =	sbr.rel .LBB1_1-.Ltmp0, $4  }
0xa: {  	s10 =	simm.s32 $0x0;
	s3 =	rddreg [dreg:$0x1];
	s5 =	sadd.s32 s4, s5  }
0xb: {  	_ =	strace $0x8000004A;
	s4 =	simm.s32 $0x1;
	s5 =	smul.u32 $0x19, s5  }
0xc: {  	s12 =	simm.s32 $0x0;
	s6 =	sadd.s32 $0x800, s6;
	[sflag:s4] =	ssyncpa.u1 $0x0  }
0xd: {  	s11 =	smov.u32 s2;
	[sflag:s7] =	ssyncpa.u1 $0x0;
	s7 =	sadd.s32 $0x1, s5  }
.LBB1_7:
0xe: {  	s15 =	sadd.s32 $0x2, s10  }
0xf: {  	s13 =	sadd.s32 $0x800, s11;
	s17 =	smov.u32 s11;
	p1 =	sgt.s32 s15, $0x31  }
0x10: {  	s17 =	smov.u32 @p1 s13  }
0x11: {  	s15 =	simm.s32 @p1 $0x0;
	p1 =	sgt.s32 s17, $0xFFF  }
0x12: {  	s17 =	smov.u32 @p1 s2;
	p1 =	sne.s32 s12, s7  }
.Ltmp1:
0x13: {  	p0 =	slt.u32 s12, $0x2;
	(pc) =	sbr.rel @!p1 .LBB1_8-.Ltmp1, $4  }
0x14: {  	s16 =	simm.s32 @!p0 $0x2  }
0x15: {  	s14 =	smov.u32 s11;
	_ =	swait.ge @!p0 [sflag:s16], $0x4000  }
0x16: {  	s13 =	smov.u32 s10;
	[sflag:s16] =	ssyncset.done @!p0 $0x0;
	s10 =	smov.u32 s15  }
0x17: {  	s12 =	sadd.s32 $0x1, s12;
	[sflag:s16] =	ssyncadd.s32 @!p0 $0xFFFFC000;
	s11 =	smov.u32 s17  }
.LBB1_1:
0x18: {  	p0 =	sge.u32 s12, s5  }
0x19: {  	s15 =	sand.u32 @!p0 $0x1FFFFFF, s10  }
0x1a: {  	s16 =	smulhi.u32 @!p0 $0x4924925, s15;
	_ =	sdelay $0x1  }
0x1b: {  	s16 =	smul.u32 @!p0 $0x38, s16  }
0x1c: {  	s17 =	sxor.u32 @!p0 $0xFFFFFFFF, s12;
	s18 =	smul.u32 @!p0 $0x380, s11  }
0x1d: {  	s31 =	sadd.s32 $0xFFFFFFFF, s12;
	s17 =	sshll.u32 @!p0 s17, $0xE;
	s15 =	ssub.s32 @!p0 s15, s16  }
0x1e: {  	s16 =	sand.u32 @!p0 $0x4000, s17;
	s17 =	sadd.s32 @!p0 s6, s18;
	s15 =	sshll.u32 @!p0 s15, $0x4  }
0x1f: {  	s18 =	simm.s32 @!p0 $0x1C00;
	s15 =	sadd.s32 @!p0 s15, s17;
	s17 =	simm.s32 @!p0 $0x100  }
0x20: {  	[tilespmem:s16], [sflag:$0x1] =	stream.strided.gather @!p0 [hbm4b:s15+s17], $0x4000, s18, s17, $0x38;
	[tilespmem:$0x10000] =	vst v63  }
0x21: {  	p0 =	sge.u32 s31, s5  }
.Ltmp2:
0x22: {  	_ = 	snop;
	(pc) =	sbr.rel @p0 .LBB1_7-.Ltmp2, $1  }
0x23: {  	_ =	sdelay $0x3  }
0x24: {  	_ =	swait.ge [sflag:s4], $0x4000;
	s15 =	sshll.u32 s12, $0xE  }
0x25: {  	[sflag:s4] =	ssyncset.done $0x0;
	s16 =	sand.u32 $0x4000, s15  }
0x26: {  	s17 =	simm.s32 $0x0;
	[sflag:s4] =	ssyncadd.s32 $0xFFFFC000;
	s15 =	sor.u32 $0x8000, s16  }
.LBB1_3:
0x27: {  	s18 =	sshll.u32 s17, $0x8  }
0x28: {  	s18 =	sand.u32 $0x3FFFFF00, s18  }
0x29: {  	s19 =	sshll.u32 s17, $0x7;
	s18 =	sadd.s32 s18, s16  }
0x2a: {  	s19 =	sand.u32 $0x3FFFFF80, s19;
	v0 =	vmov s18  }
0x2b: {  	s19 =	sadd.s32 s19, s15  }
0x2c: {  	p0 =	por $0x1, $0x1;
	v1 =	vmov s19;
	s18 =	simm.s32 $0x0  }
.LBB1_4:
0x2d: {  	s19 =	sshll.u32 s18, $0x7  }
0x2e: {  	s19 =	sand.u32 $0x3FFFFF80, s19  }
0x2f: {  	v2 =	vld.idx.msk [tilespmem:v0+s19+$0x0 ss:$0x1], $0xffff  }
0x30: {  	v3 =	vld.idx.msk [tilespmem:v0+s19+$0x10 ss:$0x1], $0xffff  }
0x31: {  	v4 =	vld.idx.msk [tilespmem:v0+s19+$0x20 ss:$0x1], $0xffff  }
0x32: {  	s31 =	sshll.u32 s18, $0xD;
	v5 =	vld.idx.msk [tilespmem:v0+s19+$0x30 ss:$0x1], $0xffff  }
0x33: {  	s18 =	sand.u32 $0x3FFFE000, s31;
	v6 =	vld.idx.msk [tilespmem:v0+s19+$0x40 ss:$0x1], $0xffff  }
0x34: {  	v63 =	vld.idx.msk [tilespmem:v0+s19+$0x70 ss:$0x1], $0xffff;
	[tilespmem:v1+s18+$0x0 ss:$0x1] =	vst.idx.msk $0xffff, v2  }
0x35: {  	v2 =	vld.idx.msk [tilespmem:v0+s19+$0x50 ss:$0x1], $0xffff;
	[tilespmem:v1+s18+$0x10 ss:$0x1] =	vst.idx.msk $0xffff, v3  }
0x36: {  	p1 =	por p0, p0;
	v3 =	vld.idx.msk [tilespmem:v0+s19+$0x60 ss:$0x1], $0xffff;
	[tilespmem:v1+s18+$0x20 ss:$0x1] =	vst.idx.msk $0xffff, v4  }
.Ltmp3:
0x37: {  	[tilespmem:v1+s18+$0x30 ss:$0x1] =	vst.idx.msk $0xffff, v5;
	(pc) =	sbr.rel @p1 .LBB1_4-.Ltmp3, $4  }
0x38: {  	[tilespmem:v1+s18+$0x40 ss:$0x1] =	vst.idx.msk $0xffff, v6  }
0x39: {  	[tilespmem:v1+s18+$0x70 ss:$0x1] =	vst.idx.msk $0xffff, v63  }
0x3a: {  	[tilespmem:v1+s18+$0x50 ss:$0x1] =	vst.idx.msk $0xffff, v2  }
0x3b: {  	p0 =	por $0x0, $0x0;
	[tilespmem:v1+s18+$0x60 ss:$0x1] =	vst.idx.msk $0xffff, v3;
	s18 =	simm.s32 $0x1  }
0x3c: {  	s17 =	sadd.s32 $0x1, s17  }
0x3d: {  	p0 =	sne.s32 s17, $0x40  }
.Ltmp4:
0x3e: {  	_ = 	snop;
	(pc) =	sbr.rel @p0 .LBB1_3-.Ltmp4, $1  }
0x3f: {  	_ =	sdelay $0x3  }
.Ltmp5:
0x40: {  	s14 =	sshll.u32 s14, $0x4;
	(pc) =	sbr.rel .LBB1_7-.Ltmp5, $4  }
0x41: {  	s14 =	sand.u32 $0xFFF0, s14  }
0x42: {  	s13 =	sshll.u32 s13, $0x10;
	s14 =	sadd.s32 s3, s14  }
0x43: {  	s13 =	sadd.s32 s13, s14  }
0x44: {  	[hbm4b:s13+s8] =	stream.strided.scatter [tilespmem:s15], [sflag:$0x2], $0x4000, s9, s8, $0x38;
	[tilespmem:$0x10000] =	vst v63  }
.LBB1_8:
0x45: {  	_ =	sfence.sel $0x180000  }
0x46: {  	s2 =	simm.s32 $0x1;
	[bflag:$0x0] =	sbarrier.arrive $0xFFFF  }
0x47: {  	s31 =	simm.s32 $0x2;
	[sflag:s2] =	ssyncpa.u1 $0x1  }
0x48: {  	[sflag:s31] =	ssyncpa.u1 $0x1  }
0x49: {  	p0 =	sne.s32 s0, $0x0;
	_ =	strace $0x9000004A  }
0x4a: {  	s0 =	sadd.s32 @!p0 $0x100000, s1;
	[bflag:$0x2] =	sbarrier.arrive $0xFFFF  }
0x4b: {  	[sflag:s0] =	ssyncadd.tile.s32 @!p0 $0x1;
	_ =	shalt  }
.Lfunc_end1:
_tile_overlayer_lowered:
.L_overlay_start_2:
0x4c: {  	(tag) =	ssettag $0x2  }
0x4d: {  	s0 =	rddreg [dreg:$0x0];
	s2 =	stileid.u32  }
0x4e: {  	s1 =	rddreg [dreg:$0x1];
	p0 =	sne.s32 s2, $0x0  }
0x4f: {  	s3 =	rddreg [dreg:$0x2];
	[bflag:$0x3] =	sbarrier.arrive $0xFFFF;
	s2 =	simm.s32 @!p0 $0x1C01  }
0x50: {  	[timem:s3], [sflag:s2] =	dma.local @!p0 [hbm:s0], s1  }
0x51: {  	s0 =	simm.s32 @!p0 $0x1  }
0x52: {  	_ =	swait.ge @!p0 [sflag:s0], s1  }
0x53: {  	s1 =	ssub.s32 @!p0 $0x0, s1;
	[sflag:s0] =	ssyncset.done @!p0 $0x0  }
0x54: {  	[sflag:s0] =	ssyncadd.s32 @!p0 s1  }
0x55: {  	[bflag:$0x3] =	sbarrier.arrive $0xFFFF  }
0x56: {  	_ =	shalt  }

</sc_bundles>
